<compile_context>
chip_gen: v7x
topology: tpu7x:2x2x1
jax: 0.10.2.dev20260603
libtpu: 0.0.44.dev20260713+nightly
codegen_flags: <defaults>
</compile_context>

<pallas_src>
import functools

import jax
import jax.numpy as jnp
from jax import lax
from jax.experimental import pallas as pl
from jax.experimental.pallas import tpu as pltpu
from jax.experimental.pallas import tpu_sc as plsc

N_ENT = 50000
N_USERS = 1024
E = 800000
N_REL = 16
D = 64

NC = 2
NS = 16
CK = 128
EPT = 50176
EP = EPT * NS
NCHUNK = EPT // CK

HALF = N_ENT // NC
ROWS_PT = 1568
ACC_ROWS = NS * ROWS_PT
DUMMY = HALF

MAIN_CHUNKS = (NCHUNK // 4 - 1) * 4


def _sc_agg_kernel(emb_hbm, meta_hbm, w_hbm, out_hbm,
                   rows0_v, rows1_v, m0_v, m1_v, m2_v, m3_v,
                   hsel0_v, hsel1_v, w_v, gsem, msem, ssem, acc_ref):
    c = lax.axis_index("c")
    s = lax.axis_index("s")
    base = c * HALF
    rows = (rows0_v, rows1_v)
    metas = (m0_v, m1_v, m2_v, m3_v)
    hsels = (hsel0_v, hsel1_v)

    pltpu.sync_copy(w_hbm, w_v)

    def _zero_body(e, carry):
        for k in range(D // 16):
            rows0_v[e, pl.ds(k * 16, 16)] = jnp.zeros((16,), jnp.float32)
        return carry
    lax.fori_loop(0, CK, _zero_body, 0)
    zbase = s * ROWS_PT
    for zi in range(ROWS_PT // CK):
        pltpu.sync_copy(rows0_v, acc_ref.at[pl.ds(zbase + zi * CK, CK)])
    rem = ROWS_PT % CK
    if rem:
        pltpu.sync_copy(rows0_v.at[pl.ds(0, rem)],
                        acc_ref.at[pl.ds(zbase + ROWS_PT - rem, rem)])
    plsc.subcore_barrier()

    gk0 = s * NCHUNK

    def _wait_gather():
        pltpu.make_async_copy(emb_hbm.at[pl.ds(0, CK)], rows0_v, gsem).wait()

    def _wait_meta():
        pltpu.make_async_copy(meta_hbm.at[0], m0_v, msem).wait()

    def _wait_scatter():
        pltpu.make_async_copy(emb_hbm.at[pl.ds(0, CK)], rows0_v, ssem).wait()

    def _fire_meta(gk, mbuf):
        pltpu.async_copy(meta_hbm.at[gk], mbuf, msem)

    def _fire_gather(mbuf, rbuf):
        pltpu.async_copy(emb_hbm.at[mbuf.at[1]], rbuf, gsem)

    def _fire_scatter(rbuf, hbuf):
        pltpu.async_copy(rbuf, acc_ref.at[hbuf], ssem, add=True)

    def _scale_chunk(meta_b, rows_b, hsel_b):
        def _group(g, carry):
            e0 = g * 16
            head = meta_b[0, pl.ds(e0, 16)]
            rel = (meta_b[2, pl.ds(e0, 16)] + (N_REL - 1)) & (N_REL - 1)
            um = plsc.bitcast(meta_b[3, pl.ds(e0, 16)], jnp.float32)
            inr = (head >= base) & (head < base + HALF)
            hsel_b[pl.ds(e0, 16)] = jnp.where(inr, head - base, DUMMY)
            rid = e0 + lax.iota(jnp.int32, 16)
            for d in range(0):
                dsp = jnp.full((16,), d, jnp.int32)
                rv = plsc.load_gather(rows_b, [rid, dsp])
                wv = plsc.load_gather(w_v, [rel, dsp])
                plsc.store_scatter(rows_b, [rid, dsp], rv * (wv * um))
            return carry
        lax.fori_loop(0, CK // 16, _group, 0)

    pltpu.sync_copy(meta_hbm.at[gk0], m0_v)
    _fire_gather(m0_v, rows0_v)
    _fire_meta(gk0 + 1, m1_v)
    _fire_meta(gk0 + 2, m2_v)

    def _step(k4, b4, in_main):
        k = k4 * 4 + b4
        gk = gk0 + k
        rows_b = rows[b4 % 2]
        rows_n = rows[(b4 + 1) % 2]
        meta_b = metas[b4 % 4]
        hsel_b = hsels[b4 % 2]

        if in_main or (MAIN_CHUNKS + b4 + 3 < NCHUNK):
            _fire_meta(gk + 3, metas[(b4 + 3) % 4])
        if in_main or (MAIN_CHUNKS + b4 + 1 < NCHUNK):
            _wait_meta()
            if in_main and b4 == 0:
                @pl.when(k4 >= 1)
                def _():
                    _wait_scatter()
            else:
                _wait_scatter()
            _fire_gather(metas[(b4 + 1) % 4], rows_n)
        _wait_gather()
        _scale_chunk(meta_b, rows_b, hsel_b)
        _fire_scatter(rows_b, hsel_b)

    def _main(k4, carry):
        for b4 in range(4):
            _step(k4, b4, True)
        return carry
    lax.fori_loop(0, MAIN_CHUNKS // 4, _main, 0)

    for b4 in range(4):
        _step(MAIN_CHUNKS // 4, b4, False)

    _wait_scatter()
    _wait_scatter()
    plsc.subcore_barrier()

    obase = s * ROWS_PT

    @pl.when(s < NS - 1)
    def _():
        pltpu.sync_copy(acc_ref.at[pl.ds(obase, ROWS_PT)],
                        out_hbm.at[pl.ds(base + obase, ROWS_PT)])

    @pl.when(s == NS - 1)
    def _():
        last = HALF - (NS - 1) * ROWS_PT
        pltpu.sync_copy(acc_ref.at[pl.ds(obase, last)],
                        out_hbm.at[pl.ds(base + obase, last)])


def _sc_agg(entity_emb, meta, weight):
    mesh = plsc.VectorSubcoreMesh(core_axis_name="c", subcore_axis_name="s",
                                  num_cores=NC, num_subcores=NS)
    f = pl.kernel(
        _sc_agg_kernel,
        out_type=jax.ShapeDtypeStruct((N_ENT, D), jnp.float32),
        mesh=mesh,
        compiler_params=pltpu.CompilerParams(
            needs_layout_passes=False,
            use_tc_tiling_on_sc=False,
        ),
        scratch_types=[
            pltpu.VMEM((CK, D), jnp.float32),
            pltpu.VMEM((CK, D), jnp.float32),
            pltpu.VMEM((4, CK), jnp.int32),
            pltpu.VMEM((4, CK), jnp.int32),
            pltpu.VMEM((4, CK), jnp.int32),
            pltpu.VMEM((4, CK), jnp.int32),
            pltpu.VMEM((CK,), jnp.int32),
            pltpu.VMEM((CK,), jnp.int32),
            pltpu.VMEM((N_REL, D), jnp.float32),
            pltpu.SemaphoreType.DMA,
            pltpu.SemaphoreType.DMA,
            pltpu.SemaphoreType.DMA,
            pltpu.VMEM_SHARED((ACC_ROWS, D), jnp.float32),
        ],
    )
    return f(entity_emb, meta, weight)


KT = 2048
K_MAIN = (N_ENT // KT) * KT
K_REM = N_ENT - K_MAIN


def _mm_body(x_ref, y_ref, xr_ref, yr_ref, o_ref):
    @pl.when(pl.program_id(0) == 0)
    def _():
        o_ref[...] = jnp.dot(xr_ref[...], yr_ref[...],
                             preferred_element_type=jnp.float32)
    o_ref[...] += jnp.dot(x_ref[...], y_ref[...],
                          preferred_element_type=jnp.float32)


def _tc_matmul(interact_mat, entity_emb):
    x2 = interact_mat[:, K_MAIN:]
    y2 = entity_emb[K_MAIN:]
    return pl.pallas_call(
        _mm_body,
        grid=(K_MAIN // KT,),
        in_specs=[
            pl.BlockSpec((N_USERS, KT), lambda k: (0, k)),
            pl.BlockSpec((KT, D), lambda k: (k, 0)),
            pl.BlockSpec((N_USERS, K_REM), lambda k: (0, 0)),
            pl.BlockSpec((K_REM, D), lambda k: (0, 0)),
        ],
        out_specs=pl.BlockSpec((N_USERS, D), lambda k: (0, 0)),
        out_shape=jax.ShapeDtypeStruct((N_USERS, D), jnp.float32),
    )(interact_mat, entity_emb, x2, y2)


def kernel(entity_emb, user_emb, entity_2nd_emb, ent_weight_emb, edge_index,
           edge_type, interact_mat, weight, unmask):
    head = edge_index[0]
    tail = edge_index[1]
    padn = EP - E
    head_p = jnp.pad(head, (0, padn)).reshape(EP // CK, CK)
    tail_p = jnp.pad(tail, (0, padn)).reshape(EP // CK, CK)
    et_p = jnp.pad(edge_type, (0, padn)).reshape(EP // CK, CK)
    um_p = lax.bitcast_convert_type(
        jnp.pad(unmask, (0, padn)), jnp.int32).reshape(EP // CK, CK)
    meta = jnp.stack([head_p, tail_p, et_p, um_p], axis=1)

    entity_agg = _sc_agg(entity_emb, meta, weight)
    user_agg = _tc_matmul(interact_mat, entity_emb)
    return entity_agg, user_agg

# --- scband reference (transcript-rebuilt; emitter-appended) ---
"""Pipeline reference for scband-recommender-79508434584054 (READ-ONLY COPY).

The authoritative reference and input builder live on the scoring server;
editing this copy changes nothing except your own understanding.
"""

import jax, jax.numpy as jnp
import numpy as np

N_ENT = 50000
N_USERS = 1024
E = 800000
N_REL = 16
D = 64

def setup_inputs(seed: int = 0) -> dict:
    key = jax.random.key(seed)
    ks = jax.random.split(key, 9)
    entity_emb = jax.random.normal(ks[0], (N_ENT, D), dtype=jnp.float32)
    user_emb = jax.random.normal(ks[1], (N_USERS, D), dtype=jnp.float32)
    entity_2nd_emb = jax.random.normal(ks[2], (N_ENT, D), dtype=jnp.float32)
    ent_weight_emb = jax.random.normal(ks[3], (N_ENT, D), dtype=jnp.float32)
    edge_index = jax.random.randint(ks[4], (2, E), 0, N_ENT, dtype=jnp.int32)
    edge_type = jax.random.randint(ks[5], (E,), 0, N_REL, dtype=jnp.int32)
    interact_mat = jax.random.uniform(ks[6], (N_USERS, N_ENT), dtype=jnp.float32)
    weight = jax.random.normal(ks[7], (N_REL, D), dtype=jnp.float32)
    unmask = jax.random.uniform(ks[8], (E,), dtype=jnp.float32)
    return {
        'entity_emb': entity_emb,
        'user_emb': user_emb,
        'entity_2nd_emb': entity_2nd_emb,
        'ent_weight_emb': ent_weight_emb,
        'edge_index': edge_index,
        'edge_type': edge_type,
        'interact_mat': interact_mat,
        'weight': weight,
        'unmask': unmask,
    }

def reference(entity_emb, user_emb, entity_2nd_emb, ent_weight_emb, edge_index, edge_type, interact_mat, weight, unmask):
    n_entities = entity_emb.shape[0]
    # KG aggregate
    head = edge_index[0]
    tail = edge_index[1]
    edge_relation_emb = weight[edge_type - 1]            # gather relation embeddings [E, D]
    neigh_relation_emb = entity_emb[tail] * unmask[:, None] * edge_relation_emb  # gather + elementwise [E, D]
    entity_agg = jax.ops.segment_sum(neigh_relation_emb, head, num_segments=n_entities)  # scatter-add [N_ENT, D]
    # user aggregate (torch.sparse.mm(interact_mat, entity_emb) -> dense matmul here)
    user_agg = interact_mat @ entity_emb                 # [N_USERS, D]
    return (entity_agg, user_agg)

if __name__ == "__main__":
    import jax
    _d = setup_inputs()
    print(jax.jit(kernel)(*tuple(_d.values())))

</pallas_src>

<mosaic_0001>
#map = affine_map<(d0, d1) -> (0, 0)>
#map1 = affine_map<(d0, d1) -> (0, 0, 0)>
module attributes {stable_mosaic.version = 14 : i64} {
  func.func @_sc_agg_kernel(%arg0: i32, %arg1: i32, %arg2: memref<50000x64xf32, #tpu.memory_space<hbm>>, %arg3: memref<6272x4x128xi32, #tpu.memory_space<hbm>>, %arg4: memref<16x64xf32, #tpu.memory_space<hbm>>, %arg5: memref<50000x64xf32, #tpu.memory_space<hbm>>, %arg6: memref<128x64xf32, #tpu.memory_space<vmem>>, %arg7: memref<128x64xf32, #tpu.memory_space<vmem>>, %arg8: memref<4x128xi32, #tpu.memory_space<vmem>>, %arg9: memref<4x128xi32, #tpu.memory_space<vmem>>, %arg10: memref<4x128xi32, #tpu.memory_space<vmem>>, %arg11: memref<4x128xi32, #tpu.memory_space<vmem>>, %arg12: memref<128xi32, #tpu.memory_space<vmem>>, %arg13: memref<128xi32, #tpu.memory_space<vmem>>, %arg14: memref<16x64xf32, #tpu.memory_space<vmem>>, %arg15: memref<!tpu.dma_semaphore, #tpu.memory_space<semaphore_mem>>, %arg16: memref<!tpu.dma_semaphore, #tpu.memory_space<semaphore_mem>>, %arg17: memref<!tpu.dma_semaphore, #tpu.memory_space<semaphore_mem>>, %arg18: memref<25088x64xf32, #tpu.memory_space<vmem_shared>>) attributes {dimension_semantics = [#tpu.dimension_semantics<core_parallel>, #tpu.dimension_semantics<subcore_parallel>], iteration_bounds = array<i64: 2, 16>, scalar_prefetch = 0 : i64, scratch_operands = 13 : i64, tpu.core_type = #tpu.core_type<sc_vector_subcore>, window_params = [{transform_indices = #map}, {transform_indices = #map1}, {transform_indices = #map}, {transform_indices = #map}]} {
    %mul3A = arith.constant 25000 : i32
    %mul3A_0 = arith.muli %arg0, %mul3A : i32
    "tpu.region"() ({
      %run_scoped3A = tpu.sem_alloc : memref<!tpu.dma_semaphore, #tpu.memory_space<semaphore_mem>>
      tpu.enqueue_dma source(%arg4 : memref<16x64xf32, #tpu.memory_space<hbm>>) target(%arg14 : memref<16x64xf32, #tpu.memory_space<vmem>>) target_semaphore(%run_scoped3A : memref<!tpu.dma_semaphore, #tpu.memory_space<semaphore_mem>>)
      tpu.wait_dma2 semaphore(%run_scoped3A : memref<!tpu.dma_semaphore, #tpu.memory_space<semaphore_mem>>) src(%arg4 : memref<16x64xf32, #tpu.memory_space<hbm>>) dst(%arg14 : memref<16x64xf32, #tpu.memory_space<vmem>>)
      tpu.yield
    }) : () -> ()
    %scan3A = arith.constant 0 : i32
    %scan3A_1 = arith.constant 0 : i32
    %scan3A_2 = arith.constant 128 : i32
    %scan3A_3 = arith.addi %scan3A_1, %scan3A_2 : i32
    %scan3A_4 = arith.constant 1 : i32
    scf.for %scan3A_232 = %scan3A_1 to %scan3A_3 step %scan3A_4  : i32 {
      %broadcast_in_dim3A = arith.constant 0.000000e+00 : f32
      %broadcast_in_dim3A_233 = vector.broadcast %broadcast_in_dim3A : f32 to vector<16xf32>
      %swap3A = arith.index_cast %scan3A_232 : i32 to index
      %swap3A_234 = arith.constant 0 : index
      %swap3A_235 = tpu.vector_load %arg6[%swap3A, %swap3A_234] {strides = array<i32>} : memref<128x64xf32, #tpu.memory_space<vmem>>, vector<16xf32>,
      tpu.vector_store %arg6[%swap3A, %swap3A_234], %broadcast_in_dim3A_233 {strides = array<i32>} : memref<128x64xf32, #tpu.memory_space<vmem>>, vector<16xf32>,
      %broadcast_in_dim3A_236 = arith.constant 0.000000e+00 : f32
      %broadcast_in_dim3A_237 = vector.broadcast %broadcast_in_dim3A_236 : f32 to vector<16xf32>
      %swap3A_238 = arith.index_cast %scan3A_232 : i32 to index
      %swap3A_239 = arith.constant 16 : index
      %swap3A_240 = tpu.vector_load %arg6[%swap3A_238, %swap3A_239] {strides = array<i32>} : memref<128x64xf32, #tpu.memory_space<vmem>>, vector<16xf32>,
      tpu.vector_store %arg6[%swap3A_238, %swap3A_239], %broadcast_in_dim3A_237 {strides = array<i32>} : memref<128x64xf32, #tpu.memory_space<vmem>>, vector<16xf32>,
      %broadcast_in_dim3A_241 = arith.constant 0.000000e+00 : f32
      %broadcast_in_dim3A_242 = vector.broadcast %broadcast_in_dim3A_241 : f32 to vector<16xf32>
      %swap3A_243 = arith.index_cast %scan3A_232 : i32 to index
      %swap3A_244 = arith.constant 32 : index
      %swap3A_245 = tpu.vector_load %arg6[%swap3A_243, %swap3A_244] {strides = array<i32>} : memref<128x64xf32, #tpu.memory_space<vmem>>, vector<16xf32>,
      tpu.vector_store %arg6[%swap3A_243, %swap3A_244], %broadcast_in_dim3A_242 {strides = array<i32>} : memref<128x64xf32, #tpu.memory_space<vmem>>, vector<16xf32>,
      %broadcast_in_dim3A_246 = arith.constant 0.000000e+00 : f32
      %broadcast_in_dim3A_247 = vector.broadcast %broadcast_in_dim3A_246 : f32 to vector<16xf32>
      %swap3A_248 = arith.index_cast %scan3A_232 : i32 to index
      %swap3A_249 = arith.constant 48 : index
      %swap3A_250 = tpu.vector_load %arg6[%swap3A_248, %swap3A_249] {strides = array<i32>} : memref<128x64xf32, #tpu.memory_space<vmem>>, vector<16xf32>,
      tpu.vector_store %arg6[%swap3A_248, %swap3A_249], %broadcast_in_dim3A_247 {strides = array<i32>} : memref<128x64xf32, #tpu.memory_space<vmem>>, vector<16xf32>,
    }
    %scan3A_5 = arith.constant 128 : i32
    %mul3A_6 = arith.constant 1568 : i32
    %mul3A_7 = arith.muli %arg1, %mul3A_6 : i32
    %add3A = arith.constant 0 : i32
    %add3A_8 = arith.addi %mul3A_7, %add3A : i32
    "tpu.region"() ({
      %run_scoped3A = tpu.sem_alloc : memref<!tpu.dma_semaphore, #tpu.memory_space<semaphore_mem>>
      %dma_start3A_232 = arith.constant 0 : i32
      %dma_start3A_233 = tpu.memref_slice %arg18[%add3A_8, %dma_start3A_232] : memref<25088x64xf32, #tpu.memory_space<vmem_shared>> -> memref<128x64xf32, #tpu.memory_space<vmem_shared>>
      %dma_start3A_234 = arith.constant 0 : i32
      %dma_start3A_235 = tpu.memref_slice %arg18[%add3A_8, %dma_start3A_234] : memref<25088x64xf32, #tpu.memory_space<vmem_shared>> -> memref<128x64xf32, #tpu.memory_space<vmem_shared>>
      tpu.enqueue_dma source(%arg6 : memref<128x64xf32, #tpu.memory_space<vmem>>) target(%dma_start3A_235 : memref<128x64xf32, #tpu.memory_space<vmem_shared>>) target_semaphore(%run_scoped3A : memref<!tpu.dma_semaphore, #tpu.memory_space<semaphore_mem>>)
      %dma_wait3A_236 = arith.constant 0 : i32
      %dma_wait3A_237 = tpu.memref_slice %arg18[%add3A_8, %dma_wait3A_236] : memref<25088x64xf32, #tpu.memory_space<vmem_shared>> -> memref<128x64xf32, #tpu.memory_space<vmem_shared>>
      %dma_wait3A_238 = arith.constant 0 : i32
      %dma_wait3A_239 = tpu.memref_slice %arg18[%add3A_8, %dma_wait3A_238] : memref<25088x64xf32, #tpu.memory_space<vmem_shared>> -> memref<128x64xf32, #tpu.memory_space<vmem_shared>>
      tpu.wait_dma2 semaphore(%run_scoped3A : memref<!tpu.dma_semaphore, #tpu.memory_space<semaphore_mem>>) src(%arg6 : memref<128x64xf32, #tpu.memory_space<vmem>>) dst(%dma_wait3A_239 : memref<128x64xf32, #tpu.memory_space<vmem_shared>>)
      tpu.yield
    }) : () -> ()
    %add3A_9 = arith.constant 128 : i32
    %add3A_10 = arith.addi %mul3A_7, %add3A_9 : i32
    "tpu.region"() ({
      %run_scoped3A = tpu.sem_alloc : memref<!tpu.dma_semaphore, #tpu.memory_space<semaphore_mem>>
      %dma_start3A_232 = arith.constant 0 : i32
      %dma_start3A_233 = tpu.memref_slice %arg18[%add3A_10, %dma_start3A_232] : memref<25088x64xf32, #tpu.memory_space<vmem_shared>> -> memref<128x64xf32, #tpu.memory_space<vmem_shared>>
      %dma_start3A_234 = arith.constant 0 : i32
      %dma_start3A_235 = tpu.memref_slice %arg18[%add3A_10, %dma_start3A_234] : memref<25088x64xf32, #tpu.memory_space<vmem_shared>> -> memref<128x64xf32, #tpu.memory_space<vmem_shared>>
      tpu.enqueue_dma source(%arg6 : memref<128x64xf32, #tpu.memory_space<vmem>>) target(%dma_start3A_235 : memref<128x64xf32, #tpu.memory_space<vmem_shared>>) target_semaphore(%run_scoped3A : memref<!tpu.dma_semaphore, #tpu.memory_space<semaphore_mem>>)
      %dma_wait3A_236 = arith.constant 0 : i32
      %dma_wait3A_237 = tpu.memref_slice %arg18[%add3A_10, %dma_wait3A_236] : memref<25088x64xf32, #tpu.memory_space<vmem_shared>> -> memref<128x64xf32, #tpu.memory_space<vmem_shared>>
      %dma_wait3A_238 = arith.constant 0 : i32
      %dma_wait3A_239 = tpu.memref_slice %arg18[%add3A_10, %dma_wait3A_238] : memref<25088x64xf32, #tpu.memory_space<vmem_shared>> -> memref<128x64xf32, #tpu.memory_space<vmem_shared>>
      tpu.wait_dma2 semaphore(%run_scoped3A : memref<!tpu.dma_semaphore, #tpu.memory_space<semaphore_mem>>) src(%arg6 : memref<128x64xf32, #tpu.memory_space<vmem>>) dst(%dma_wait3A_239 : memref<128x64xf32, #tpu.memory_space<vmem_shared>>)
      tpu.yield
    }) : () -> ()
    %add3A_11 = arith.constant 256 : i32
    %add3A_12 = arith.addi %mul3A_7, %add3A_11 : i32
    "tpu.region"() ({
      %run_scoped3A = tpu.sem_alloc : memref<!tpu.dma_semaphore, #tpu.memory_space<semaphore_mem>>
      %dma_start3A_232 = arith.constant 0 : i32
      %dma_start3A_233 = tpu.memref_slice %arg18[%add3A_12, %dma_start3A_232] : memref<25088x64xf32, #tpu.memory_space<vmem_shared>> -> memref<128x64xf32, #tpu.memory_space<vmem_shared>>
      %dma_start3A_234 = arith.constant 0 : i32
      %dma_start3A_235 = tpu.memref_slice %arg18[%add3A_12, %dma_start3A_234] : memref<25088x64xf32, #tpu.memory_space<vmem_shared>> -> memref<128x64xf32, #tpu.memory_space<vmem_shared>>
      tpu.enqueue_dma source(%arg6 : memref<128x64xf32, #tpu.memory_space<vmem>>) target(%dma_start3A_235 : memref<128x64xf32, #tpu.memory_space<vmem_shared>>) target_semaphore(%run_scoped3A : memref<!tpu.dma_semaphore, #tpu.memory_space<semaphore_mem>>)
      %dma_wait3A_236 = arith.constant 0 : i32
      %dma_wait3A_237 = tpu.memref_slice %arg18[%add3A_12, %dma_wait3A_236] : memref<25088x64xf32, #tpu.memory_space<vmem_shared>> -> memref<128x64xf32, #tpu.memory_space<vmem_shared>>
      %dma_wait3A_238 = arith.constant 0 : i32
      %dma_wait3A_239 = tpu.memref_slice %arg18[%add3A_12, %dma_wait3A_238] : memref<25088x64xf32, #tpu.memory_space<vmem_shared>> -> memref<128x64xf32, #tpu.memory_space<vmem_shared>>
      tpu.wait_dma2 semaphore(%run_scoped3A : memref<!tpu.dma_semaphore, #tpu.memory_space<semaphore_mem>>) src(%arg6 : memref<128x64xf32, #tpu.memory_space<vmem>>) dst(%dma_wait3A_239 : memref<128x64xf32, #tpu.memory_space<vmem_shared>>)
      tpu.yield
    }) : () -> ()
    %add3A_13 = arith.constant 384 : i32
    %add3A_14 = arith.addi %mul3A_7, %add3A_13 : i32
    "tpu.region"() ({
      %run_scoped3A = tpu.sem_alloc : memref<!tpu.dma_semaphore, #tpu.memory_space<semaphore_mem>>
      %dma_start3A_232 = arith.constant 0 : i32
      %dma_start3A_233 = tpu.memref_slice %arg18[%add3A_14, %dma_start3A_232] : memref<25088x64xf32, #tpu.memory_space<vmem_shared>> -> memref<128x64xf32, #tpu.memory_space<vmem_shared>>
      %dma_start3A_234 = arith.constant 0 : i32
      %dma_start3A_235 = tpu.memref_slice %arg18[%add3A_14, %dma_start3A_234] : memref<25088x64xf32, #tpu.memory_space<vmem_shared>> -> memref<128x64xf32, #tpu.memory_space<vmem_shared>>
      tpu.enqueue_dma source(%arg6 : memref<128x64xf32, #tpu.memory_space<vmem>>) target(%dma_start3A_235 : memref<128x64xf32, #tpu.memory_space<vmem_shared>>) target_semaphore(%run_scoped3A : memref<!tpu.dma_semaphore, #tpu.memory_space<semaphore_mem>>)
      %dma_wait3A_236 = arith.constant 0 : i32
      %dma_wait3A_237 = tpu.memref_slice %arg18[%add3A_14, %dma_wait3A_236] : memref<25088x64xf32, #tpu.memory_space<vmem_shared>> -> memref<128x64xf32, #tpu.memory_space<vmem_shared>>
      %dma_wait3A_238 = arith.constant 0 : i32
      %dma_wait3A_239 = tpu.memref_slice %arg18[%add3A_14, %dma_wait3A_238] : memref<25088x64xf32, #tpu.memory_space<vmem_shared>> -> memref<128x64xf32, #tpu.memory_space<vmem_shared>>
      tpu.wait_dma2 semaphore(%run_scoped3A : memref<!tpu.dma_semaphore, #tpu.memory_space<semaphore_mem>>) src(%arg6 : memref<128x64xf32, #tpu.memory_space<vmem>>) dst(%dma_wait3A_239 : memref<128x64xf32, #tpu.memory_space<vmem_shared>>)
      tpu.yield
    }) : () -> ()
    %add3A_15 = arith.constant 512 : i32
    %add3A_16 = arith.addi %mul3A_7, %add3A_15 : i32
    "tpu.region"() ({
      %run_scoped3A = tpu.sem_alloc : memref<!tpu.dma_semaphore, #tpu.memory_space<semaphore_mem>>
      %dma_start3A_232 = arith.constant 0 : i32
      %dma_start3A_233 = tpu.memref_slice %arg18[%add3A_16, %dma_start3A_232] : memref<25088x64xf32, #tpu.memory_space<vmem_shared>> -> memref<128x64xf32, #tpu.memory_space<vmem_shared>>
      %dma_start3A_234 = arith.constant 0 : i32
      %dma_start3A_235 = tpu.memref_slice %arg18[%add3A_16, %dma_start3A_234] : memref<25088x64xf32, #tpu.memory_space<vmem_shared>> -> memref<128x64xf32, #tpu.memory_space<vmem_shared>>
      tpu.enqueue_dma source(%arg6 : memref<128x64xf32, #tpu.memory_space<vmem>>) target(%dma_start3A_235 : memref<128x64xf32, #tpu.memory_space<vmem_shared>>) target_semaphore(%run_scoped3A : memref<!tpu.dma_semaphore, #tpu.memory_space<semaphore_mem>>)
      %dma_wait3A_236 = arith.constant 0 : i32
      %dma_wait3A_237 = tpu.memref_slice %arg18[%add3A_16, %dma_wait3A_236] : memref<25088x64xf32, #tpu.memory_space<vmem_shared>> -> memref<128x64xf32, #tpu.memory_space<vmem_shared>>
      %dma_wait3A_238 = arith.constant 0 : i32
      %dma_wait3A_239 = tpu.memref_slice %arg18[%add3A_16, %dma_wait3A_238] : memref<25088x64xf32, #tpu.memory_space<vmem_shared>> -> memref<128x64xf32, #tpu.memory_space<vmem_shared>>
      tpu.wait_dma2 semaphore(%run_scoped3A : memref<!tpu.dma_semaphore, #tpu.memory_space<semaphore_mem>>) src(%arg6 : memref<128x64xf32, #tpu.memory_space<vmem>>) dst(%dma_wait3A_239 : memref<128x64xf32, #tpu.memory_space<vmem_shared>>)
      tpu.yield
    }) : () -> ()
    %add3A_17 = arith.constant 640 : i32
    %add3A_18 = arith.addi %mul3A_7, %add3A_17 : i32
    "tpu.region"() ({
      %run_scoped3A = tpu.sem_alloc : memref<!tpu.dma_semaphore, #tpu.memory_space<semaphore_mem>>
      %dma_start3A_232 = arith.constant 0 : i32
      %dma_start3A_233 = tpu.memref_slice %arg18[%add3A_18, %dma_start3A_232] : memref<25088x64xf32, #tpu.memory_space<vmem_shared>> -> memref<128x64xf32, #tpu.memory_space<vmem_shared>>
      %dma_start3A_234 = arith.constant 0 : i32
      %dma_start3A_235 = tpu.memref_slice %arg18[%add3A_18, %dma_start3A_234] : memref<25088x64xf32, #tpu.memory_space<vmem_shared>> -> memref<128x64xf32, #tpu.memory_space<vmem_shared>>
      tpu.enqueue_dma source(%arg6 : memref<128x64xf32, #tpu.memory_space<vmem>>) target(%dma_start3A_235 : memref<128x64xf32, #tpu.memory_space<vmem_shared>>) target_semaphore(%run_scoped3A : memref<!tpu.dma_semaphore, #tpu.memory_space<semaphore_mem>>)
      %dma_wait3A_236 = arith.constant 0 : i32
      %dma_wait3A_237 = tpu.memref_slice %arg18[%add3A_18, %dma_wait3A_236] : memref<25088x64xf32, #tpu.memory_space<vmem_shared>> -> memref<128x64xf32, #tpu.memory_space<vmem_shared>>
      %dma_wait3A_238 = arith.constant 0 : i32
      %dma_wait3A_239 = tpu.memref_slice %arg18[%add3A_18, %dma_wait3A_238] : memref<25088x64xf32, #tpu.memory_space<vmem_shared>> -> memref<128x64xf32, #tpu.memory_space<vmem_shared>>
      tpu.wait_dma2 semaphore(%run_scoped3A : memref<!tpu.dma_semaphore, #tpu.memory_space<semaphore_mem>>) src(%arg6 : memref<128x64xf32, #tpu.memory_space<vmem>>) dst(%dma_wait3A_239 : memref<128x64xf32, #tpu.memory_space<vmem_shared>>)
      tpu.yield
    }) : () -> ()
    %add3A_19 = arith.constant 768 : i32
    %add3A_20 = arith.addi %mul3A_7, %add3A_19 : i32
    "tpu.region"() ({
      %run_scoped3A = tpu.sem_alloc : memref<!tpu.dma_semaphore, #tpu.memory_space<semaphore_mem>>
      %dma_start3A_232 = arith.constant 0 : i32
      %dma_start3A_233 = tpu.memref_slice %arg18[%add3A_20, %dma_start3A_232] : memref<25088x64xf32, #tpu.memory_space<vmem_shared>> -> memref<128x64xf32, #tpu.memory_space<vmem_shared>>
      %dma_start3A_234 = arith.constant 0 : i32
      %dma_start3A_235 = tpu.memref_slice %arg18[%add3A_20, %dma_start3A_234] : memref<25088x64xf32, #tpu.memory_space<vmem_shared>> -> memref<128x64xf32, #tpu.memory_space<vmem_shared>>
      tpu.enqueue_dma source(%arg6 : memref<128x64xf32, #tpu.memory_space<vmem>>) target(%dma_start3A_235 : memref<128x64xf32, #tpu.memory_space<vmem_shared>>) target_semaphore(%run_scoped3A : memref<!tpu.dma_semaphore, #tpu.memory_space<semaphore_mem>>)
      %dma_wait3A_236 = arith.constant 0 : i32
      %dma_wait3A_237 = tpu.memref_slice %arg18[%add3A_20, %dma_wait3A_236] : memref<25088x64xf32, #tpu.memory_space<vmem_shared>> -> memref<128x64xf32, #tpu.memory_space<vmem_shared>>
      %dma_wait3A_238 = arith.constant 0 : i32
      %dma_wait3A_239 = tpu.memref_slice %arg18[%add3A_20, %dma_wait3A_238] : memref<25088x64xf32, #tpu.memory_space<vmem_shared>> -> memref<128x64xf32, #tpu.memory_space<vmem_shared>>
      tpu.wait_dma2 semaphore(%run_scoped3A : memref<!tpu.dma_semaphore, #tpu.memory_space<semaphore_mem>>) src(%arg6 : memref<128x64xf32, #tpu.memory_space<vmem>>) dst(%dma_wait3A_239 : memref<128x64xf32, #tpu.memory_space<vmem_shared>>)
      tpu.yield
    }) : () -> ()
    %add3A_21 = arith.constant 896 : i32
    %add3A_22 = arith.addi %mul3A_7, %add3A_21 : i32
    "tpu.region"() ({
      %run_scoped3A = tpu.sem_alloc : memref<!tpu.dma_semaphore, #tpu.memory_space<semaphore_mem>>
      %dma_start3A_232 = arith.constant 0 : i32
      %dma_start3A_233 = tpu.memref_slice %arg18[%add3A_22, %dma_start3A_232] : memref<25088x64xf32, #tpu.memory_space<vmem_shared>> -> memref<128x64xf32, #tpu.memory_space<vmem_shared>>
      %dma_start3A_234 = arith.constant 0 : i32
      %dma_start3A_235 = tpu.memref_slice %arg18[%add3A_22, %dma_start3A_234] : memref<25088x64xf32, #tpu.memory_space<vmem_shared>> -> memref<128x64xf32, #tpu.memory_space<vmem_shared>>
      tpu.enqueue_dma source(%arg6 : memref<128x64xf32, #tpu.memory_space<vmem>>) target(%dma_start3A_235 : memref<128x64xf32, #tpu.memory_space<vmem_shared>>) target_semaphore(%run_scoped3A : memref<!tpu.dma_semaphore, #tpu.memory_space<semaphore_mem>>)
      %dma_wait3A_236 = arith.constant 0 : i32
      %dma_wait3A_237 = tpu.memref_slice %arg18[%add3A_22, %dma_wait3A_236] : memref<25088x64xf32, #tpu.memory_space<vmem_shared>> -> memref<128x64xf32, #tpu.memory_space<vmem_shared>>
      %dma_wait3A_238 = arith.constant 0 : i32
      %dma_wait3A_239 = tpu.memref_slice %arg18[%add3A_22, %dma_wait3A_238] : memref<25088x64xf32, #tpu.memory_space<vmem_shared>> -> memref<128x64xf32, #tpu.memory_space<vmem_shared>>
      tpu.wait_dma2 semaphore(%run_scoped3A : memref<!tpu.dma_semaphore, #tpu.memory_space<semaphore_mem>>) src(%arg6 : memref<128x64xf32, #tpu.memory_space<vmem>>) dst(%dma_wait3A_239 : memref<128x64xf32, #tpu.memory_space<vmem_shared>>)
      tpu.yield
    }) : () -> ()
    %add3A_23 = arith.constant 1024 : i32
    %add3A_24 = arith.addi %mul3A_7, %add3A_23 : i32
    "tpu.region"() ({
      %run_scoped3A = tpu.sem_alloc : memref<!tpu.dma_semaphore, #tpu.memory_space<semaphore_mem>>
      %dma_start3A_232 = arith.constant 0 : i32
      %dma_start3A_233 = tpu.memref_slice %arg18[%add3A_24, %dma_start3A_232] : memref<25088x64xf32, #tpu.memory_space<vmem_shared>> -> memref<128x64xf32, #tpu.memory_space<vmem_shared>>
      %dma_start3A_234 = arith.constant 0 : i32
      %dma_start3A_235 = tpu.memref_slice %arg18[%add3A_24, %dma_start3A_234] : memref<25088x64xf32, #tpu.memory_space<vmem_shared>> -> memref<128x64xf32, #tpu.memory_space<vmem_shared>>
      tpu.enqueue_dma source(%arg6 : memref<128x64xf32, #tpu.memory_space<vmem>>) target(%dma_start3A_235 : memref<128x64xf32, #tpu.memory_space<vmem_shared>>) target_semaphore(%run_scoped3A : memref<!tpu.dma_semaphore, #tpu.memory_space<semaphore_mem>>)
      %dma_wait3A_236 = arith.constant 0 : i32
      %dma_wait3A_237 = tpu.memref_slice %arg18[%add3A_24, %dma_wait3A_236] : memref<25088x64xf32, #tpu.memory_space<vmem_shared>> -> memref<128x64xf32, #tpu.memory_space<vmem_shared>>
      %dma_wait3A_238 = arith.constant 0 : i32
      %dma_wait3A_239 = tpu.memref_slice %arg18[%add3A_24, %dma_wait3A_238] : memref<25088x64xf32, #tpu.memory_space<vmem_shared>> -> memref<128x64xf32, #tpu.memory_space<vmem_shared>>
      tpu.wait_dma2 semaphore(%run_scoped3A : memref<!tpu.dma_semaphore, #tpu.memory_space<semaphore_mem>>) src(%arg6 : memref<128x64xf32, #tpu.memory_space<vmem>>) dst(%dma_wait3A_239 : memref<128x64xf32, #tpu.memory_space<vmem_shared>>)
      tpu.yield
    }) : () -> ()
    %add3A_25 = arith.constant 1152 : i32
    %add3A_26 = arith.addi %mul3A_7, %add3A_25 : i32
    "tpu.region"() ({
      %run_scoped3A = tpu.sem_alloc : memref<!tpu.dma_semaphore, #tpu.memory_space<semaphore_mem>>
      %dma_start3A_232 = arith.constant 0 : i32
      %dma_start3A_233 = tpu.memref_slice %arg18[%add3A_26, %dma_start3A_232] : memref<25088x64xf32, #tpu.memory_space<vmem_shared>> -> memref<128x64xf32, #tpu.memory_space<vmem_shared>>
      %dma_start3A_234 = arith.constant 0 : i32
      %dma_start3A_235 = tpu.memref_slice %arg18[%add3A_26, %dma_start3A_234] : memref<25088x64xf32, #tpu.memory_space<vmem_shared>> -> memref<128x64xf32, #tpu.memory_space<vmem_shared>>
      tpu.enqueue_dma source(%arg6 : memref<128x64xf32, #tpu.memory_space<vmem>>) target(%dma_start3A_235 : memref<128x64xf32, #tpu.memory_space<vmem_shared>>) target_semaphore(%run_scoped3A : memref<!tpu.dma_semaphore, #tpu.memory_space<semaphore_mem>>)
      %dma_wait3A_236 = arith.constant 0 : i32
      %dma_wait3A_237 = tpu.memref_slice %arg18[%add3A_26, %dma_wait3A_236] : memref<25088x64xf32, #tpu.memory_space<vmem_shared>> -> memref<128x64xf32, #tpu.memory_space<vmem_shared>>
      %dma_wait3A_238 = arith.constant 0 : i32
      %dma_wait3A_239 = tpu.memref_slice %arg18[%add3A_26, %dma_wait3A_238] : memref<25088x64xf32, #tpu.memory_space<vmem_shared>> -> memref<128x64xf32, #tpu.memory_space<vmem_shared>>
      tpu.wait_dma2 semaphore(%run_scoped3A : memref<!tpu.dma_semaphore, #tpu.memory_space<semaphore_mem>>) src(%arg6 : memref<128x64xf32, #tpu.memory_space<vmem>>) dst(%dma_wait3A_239 : memref<128x64xf32, #tpu.memory_space<vmem_shared>>)
      tpu.yield
    }) : () -> ()
    %add3A_27 = arith.constant 1280 : i32
    %add3A_28 = arith.addi %mul3A_7, %add3A_27 : i32
    "tpu.region"() ({
      %run_scoped3A = tpu.sem_alloc : memref<!tpu.dma_semaphore, #tpu.memory_space<semaphore_mem>>
      %dma_start3A_232 = arith.constant 0 : i32
      %dma_start3A_233 = tpu.memref_slice %arg18[%add3A_28, %dma_start3A_232] : memref<25088x64xf32, #tpu.memory_space<vmem_shared>> -> memref<128x64xf32, #tpu.memory_space<vmem_shared>>
      %dma_start3A_234 = arith.constant 0 : i32
      %dma_start3A_235 = tpu.memref_slice %arg18[%add3A_28, %dma_start3A_234] : memref<25088x64xf32, #tpu.memory_space<vmem_shared>> -> memref<128x64xf32, #tpu.memory_space<vmem_shared>>
      tpu.enqueue_dma source(%arg6 : memref<128x64xf32, #tpu.memory_space<vmem>>) target(%dma_start3A_235 : memref<128x64xf32, #tpu.memory_space<vmem_shared>>) target_semaphore(%run_scoped3A : memref<!tpu.dma_semaphore, #tpu.memory_space<semaphore_mem>>)
      %dma_wait3A_236 = arith.constant 0 : i32
      %dma_wait3A_237 = tpu.memref_slice %arg18[%add3A_28, %dma_wait3A_236] : memref<25088x64xf32, #tpu.memory_space<vmem_shared>> -> memref<128x64xf32, #tpu.memory_space<vmem_shared>>
      %dma_wait3A_238 = arith.constant 0 : i32
      %dma_wait3A_239 = tpu.memref_slice %arg18[%add3A_28, %dma_wait3A_238] : memref<25088x64xf32, #tpu.memory_space<vmem_shared>> -> memref<128x64xf32, #tpu.memory_space<vmem_shared>>
      tpu.wait_dma2 semaphore(%run_scoped3A : memref<!tpu.dma_semaphore, #tpu.memory_space<semaphore_mem>>) src(%arg6 : memref<128x64xf32, #tpu.memory_space<vmem>>) dst(%dma_wait3A_239 : memref<128x64xf32, #tpu.memory_space<vmem_shared>>)
      tpu.yield
    }) : () -> ()
    %add3A_29 = arith.constant 1408 : i32
    %add3A_30 = arith.addi %mul3A_7, %add3A_29 : i32
    "tpu.region"() ({
      %run_scoped3A = tpu.sem_alloc : memref<!tpu.dma_semaphore, #tpu.memory_space<semaphore_mem>>
      %dma_start3A_232 = arith.constant 0 : i32
      %dma_start3A_233 = tpu.memref_slice %arg18[%add3A_30, %dma_start3A_232] : memref<25088x64xf32, #tpu.memory_space<vmem_shared>> -> memref<128x64xf32, #tpu.memory_space<vmem_shared>>
      %dma_start3A_234 = arith.constant 0 : i32
      %dma_start3A_235 = tpu.memref_slice %arg18[%add3A_30, %dma_start3A_234] : memref<25088x64xf32, #tpu.memory_space<vmem_shared>> -> memref<128x64xf32, #tpu.memory_space<vmem_shared>>
      tpu.enqueue_dma source(%arg6 : memref<128x64xf32, #tpu.memory_space<vmem>>) target(%dma_start3A_235 : memref<128x64xf32, #tpu.memory_space<vmem_shared>>) target_semaphore(%run_scoped3A : memref<!tpu.dma_semaphore, #tpu.memory_space<semaphore_mem>>)
      %dma_wait3A_236 = arith.constant 0 : i32
      %dma_wait3A_237 = tpu.memref_slice %arg18[%add3A_30, %dma_wait3A_236] : memref<25088x64xf32, #tpu.memory_space<vmem_shared>> -> memref<128x64xf32, #tpu.memory_space<vmem_shared>>
      %dma_wait3A_238 = arith.constant 0 : i32
      %dma_wait3A_239 = tpu.memref_slice %arg18[%add3A_30, %dma_wait3A_238] : memref<25088x64xf32, #tpu.memory_space<vmem_shared>> -> memref<128x64xf32, #tpu.memory_space<vmem_shared>>
      tpu.wait_dma2 semaphore(%run_scoped3A : memref<!tpu.dma_semaphore, #tpu.memory_space<semaphore_mem>>) src(%arg6 : memref<128x64xf32, #tpu.memory_space<vmem>>) dst(%dma_wait3A_239 : memref<128x64xf32, #tpu.memory_space<vmem_shared>>)
      tpu.yield
    }) : () -> ()
    %add3A_31 = arith.constant 1568 : i32
    %add3A_32 = arith.addi %mul3A_7, %add3A_31 : i32
    %sub3A = arith.constant 32 : i32
    %sub3A_33 = arith.subi %add3A_32, %sub3A : i32
    "tpu.region"() ({
      %run_scoped3A = tpu.sem_alloc : memref<!tpu.dma_semaphore, #tpu.memory_space<semaphore_mem>>
      %dma_start3A_232 = arith.constant 0 : i32
      %dma_start3A_233 = arith.constant 0 : i32
      %dma_start3A_234 = tpu.memref_slice %arg6[%dma_start3A_232, %dma_start3A_233] : memref<128x64xf32, #tpu.memory_space<vmem>> -> memref<32x64xf32, #tpu.memory_space<vmem>>
      %dma_start3A_235 = arith.constant 0 : i32
      %dma_start3A_236 = tpu.memref_slice %arg18[%sub3A_33, %dma_start3A_235] : memref<25088x64xf32, #tpu.memory_space<vmem_shared>> -> memref<32x64xf32, #tpu.memory_space<vmem_shared>>
      %dma_start3A_237 = arith.constant 0 : i32
      %dma_start3A_238 = tpu.memref_slice %arg18[%sub3A_33, %dma_start3A_237] : memref<25088x64xf32, #tpu.memory_space<vmem_shared>> -> memref<32x64xf32, #tpu.memory_space<vmem_shared>>
      %dma_start3A_239 = arith.constant 0 : i32
      %dma_start3A_240 = arith.constant 0 : i32
      %dma_start3A_241 = tpu.memref_slice %arg6[%dma_start3A_239, %dma_start3A_240] : memref<128x64xf32, #tpu.memory_space<vmem>> -> memref<32x64xf32, #tpu.memory_space<vmem>>
      tpu.enqueue_dma source(%dma_start3A_241 : memref<32x64xf32, #tpu.memory_space<vmem>>) target(%dma_start3A_238 : memref<32x64xf32, #tpu.memory_space<vmem_shared>>) target_semaphore(%run_scoped3A : memref<!tpu.dma_semaphore, #tpu.memory_space<semaphore_mem>>)
      %dma_wait3A_242 = arith.constant 0 : i32
      %dma_wait3A_243 = arith.constant 0 : i32
      %dma_wait3A_244 = tpu.memref_slice %arg6[%dma_wait3A_242, %dma_wait3A_243] : memref<128x64xf32, #tpu.memory_space<vmem>> -> memref<32x64xf32, #tpu.memory_space<vmem>>
      %dma_wait3A_245 = arith.constant 0 : i32
      %dma_wait3A_246 = tpu.memref_slice %arg18[%sub3A_33, %dma_wait3A_245] : memref<25088x64xf32, #tpu.memory_space<vmem_shared>> -> memref<32x64xf32, #tpu.memory_space<vmem_shared>>
      %dma_wait3A_247 = arith.constant 0 : i32
      %dma_wait3A_248 = tpu.memref_slice %arg18[%sub3A_33, %dma_wait3A_247] : memref<25088x64xf32, #tpu.memory_space<vmem_shared>> -> memref<32x64xf32, #tpu.memory_space<vmem_shared>>
      %dma_wait3A_249 = arith.constant 0 : i32
      %dma_wait3A_250 = arith.constant 0 : i32
      %dma_wait3A_251 = tpu.memref_slice %arg6[%dma_wait3A_249, %dma_wait3A_250] : memref<128x64xf32, #tpu.memory_space<vmem>> -> memref<32x64xf32, #tpu.memory_space<vmem>>
      tpu.wait_dma2 semaphore(%run_scoped3A : memref<!tpu.dma_semaphore, #tpu.memory_space<semaphore_mem>>) src(%dma_wait3A_251 : memref<32x64xf32, #tpu.memory_space<vmem>>) dst(%dma_wait3A_248 : memref<32x64xf32, #tpu.memory_space<vmem_shared>>)
      tpu.yield
    }) : () -> ()
    %barrier3A = arith.constant 0 : index
    tpu.barrier barrier_id(%barrier3A)
    %mul3A_34 = arith.constant 392 : i32
    %mul3A_35 = arith.muli %arg1, %mul3A_34 : i32
    "tpu.region"() ({
      %run_scoped3A = tpu.sem_alloc : memref<!tpu.dma_semaphore, #tpu.memory_space<semaphore_mem>>
      %dma_start3A_232 = arith.constant 0 : i32
      %dma_start3A_233 = arith.constant 0 : i32
      %dma_start3A_234 = tpu.memref_slice %arg3[%mul3A_35, %dma_start3A_232, %dma_start3A_233] : memref<6272x4x128xi32, #tpu.memory_space<hbm>> -> memref<1x4x128xi32, #tpu.memory_space<hbm>>
      %dma_start3A_235 = tpu.memref_squeeze %dma_start3A_234 : memref<1x4x128xi32, #tpu.memory_space<hbm>> -> memref<4x128xi32, #tpu.memory_space<hbm>>
      %dma_start3A_236 = arith.constant 0 : i32
      %dma_start3A_237 = arith.constant 0 : i32
      %dma_start3A_238 = tpu.memref_slice %arg3[%mul3A_35, %dma_start3A_236, %dma_start3A_237] : memref<6272x4x128xi32, #tpu.memory_space<hbm>> -> memref<1x4x128xi32, #tpu.memory_space<hbm>>
      %dma_start3A_239 = tpu.memref_squeeze %dma_start3A_238 : memref<1x4x128xi32, #tpu.memory_space<hbm>> -> memref<4x128xi32, #tpu.memory_space<hbm>>
      tpu.enqueue_dma source(%dma_start3A_239 : memref<4x128xi32, #tpu.memory_space<hbm>>) target(%arg8 : memref<4x128xi32, #tpu.memory_space<vmem>>) target_semaphore(%run_scoped3A : memref<!tpu.dma_semaphore, #tpu.memory_space<semaphore_mem>>)
      %dma_wait3A_240 = arith.constant 0 : i32
      %dma_wait3A_241 = arith.constant 0 : i32
      %dma_wait3A_242 = tpu.memref_slice %arg3[%mul3A_35, %dma_wait3A_240, %dma_wait3A_241] : memref<6272x4x128xi32, #tpu.memory_space<hbm>> -> memref<1x4x128xi32, #tpu.memory_space<hbm>>
      %dma_wait3A_243 = tpu.memref_squeeze %dma_wait3A_242 : memref<1x4x128xi32, #tpu.memory_space<hbm>> -> memref<4x128xi32, #tpu.memory_space<hbm>>
      %dma_wait3A_244 = arith.constant 0 : i32
      %dma_wait3A_245 = arith.constant 0 : i32
      %dma_wait3A_246 = tpu.memref_slice %arg3[%mul3A_35, %dma_wait3A_244, %dma_wait3A_245] : memref<6272x4x128xi32, #tpu.memory_space<hbm>> -> memref<1x4x128xi32, #tpu.memory_space<hbm>>
      %dma_wait3A_247 = tpu.memref_squeeze %dma_wait3A_246 : memref<1x4x128xi32, #tpu.memory_space<hbm>> -> memref<4x128xi32, #tpu.memory_space<hbm>>
      tpu.wait_dma2 semaphore(%run_scoped3A : memref<!tpu.dma_semaphore, #tpu.memory_space<semaphore_mem>>) src(%dma_wait3A_247 : memref<4x128xi32, #tpu.memory_space<hbm>>) dst(%arg8 : memref<4x128xi32, #tpu.memory_space<vmem>>)
      tpu.yield
    }) : () -> ()
    %dma_start3A = arith.constant 1 : i32
    %dma_start3A_36 = arith.constant 0 : i32
    %dma_start3A_37 = tpu.memref_slice %arg8[%dma_start3A, %dma_start3A_36] : memref<4x128xi32, #tpu.memory_space<vmem>> -> memref<1x128xi32, #tpu.memory_space<vmem>>
    %dma_start3A_38 = tpu.memref_squeeze %dma_start3A_37 : memref<1x128xi32, #tpu.memory_space<vmem>> -> memref<128xi32, #tpu.memory_space<vmem>>
    %dma_start3A_39 = arith.constant 0 : i32
    %dma_start3A_40 = arith.constant 0 : i32
    %dma_start3A_41 = tpu.memref_slice %arg2[%dma_start3A_39, %dma_start3A_40] : memref<50000x64xf32, #tpu.memory_space<hbm>> -> memref<50000x64xf32, #tpu.memory_space<hbm>>
    tpu.enqueue_indirect_dma source(%dma_start3A_41 : memref<50000x64xf32, #tpu.memory_space<hbm>>) target(%arg6 : memref<128x64xf32, #tpu.memory_space<vmem>>) offsets(%dma_start3A_38 : memref<128xi32, #tpu.memory_space<vmem>>) semaphore(%arg15 : memref<!tpu.dma_semaphore, #tpu.memory_space<semaphore_mem>>)
    %add3A_42 = arith.constant 1 : i32
    %add3A_43 = arith.addi %mul3A_35, %add3A_42 : i32
    %dma_start3A_44 = arith.constant 0 : i32
    %dma_start3A_45 = arith.constant 0 : i32
    %dma_start3A_46 = tpu.memref_slice %arg3[%add3A_43, %dma_start3A_44, %dma_start3A_45] : memref<6272x4x128xi32, #tpu.memory_space<hbm>> -> memref<1x4x128xi32, #tpu.memory_space<hbm>>
    %dma_start3A_47 = tpu.memref_squeeze %dma_start3A_46 : memref<1x4x128xi32, #tpu.memory_space<hbm>> -> memref<4x128xi32, #tpu.memory_space<hbm>>
    %dma_start3A_48 = arith.constant 0 : i32
    %dma_start3A_49 = arith.constant 0 : i32
    %dma_start3A_50 = tpu.memref_slice %arg3[%add3A_43, %dma_start3A_48, %dma_start3A_49] : memref<6272x4x128xi32, #tpu.memory_space<hbm>> -> memref<1x4x128xi32, #tpu.memory_space<hbm>>
    %dma_start3A_51 = tpu.memref_squeeze %dma_start3A_50 : memref<1x4x128xi32, #tpu.memory_space<hbm>> -> memref<4x128xi32, #tpu.memory_space<hbm>>
    tpu.enqueue_dma source(%dma_start3A_51 : memref<4x128xi32, #tpu.memory_space<hbm>>) target(%arg9 : memref<4x128xi32, #tpu.memory_space<vmem>>) target_semaphore(%arg16 : memref<!tpu.dma_semaphore, #tpu.memory_space<semaphore_mem>>)
    %add3A_52 = arith.constant 2 : i32
    %add3A_53 = arith.addi %mul3A_35, %add3A_52 : i32
    %dma_start3A_54 = arith.constant 0 : i32
    %dma_start3A_55 = arith.constant 0 : i32
    %dma_start3A_56 = tpu.memref_slice %arg3[%add3A_53, %dma_start3A_54, %dma_start3A_55] : memref<6272x4x128xi32, #tpu.memory_space<hbm>> -> memref<1x4x128xi32, #tpu.memory_space<hbm>>
    %dma_start3A_57 = tpu.memref_squeeze %dma_start3A_56 : memref<1x4x128xi32, #tpu.memory_space<hbm>> -> memref<4x128xi32, #tpu.memory_space<hbm>>
    %dma_start3A_58 = arith.constant 0 : i32
    %dma_start3A_59 = arith.constant 0 : i32
    %dma_start3A_60 = tpu.memref_slice %arg3[%add3A_53, %dma_start3A_58, %dma_start3A_59] : memref<6272x4x128xi32, #tpu.memory_space<hbm>> -> memref<1x4x128xi32, #tpu.memory_space<hbm>>
    %dma_start3A_61 = tpu.memref_squeeze %dma_start3A_60 : memref<1x4x128xi32, #tpu.memory_space<hbm>> -> memref<4x128xi32, #tpu.memory_space<hbm>>
    tpu.enqueue_dma source(%dma_start3A_61 : memref<4x128xi32, #tpu.memory_space<hbm>>) target(%arg10 : memref<4x128xi32, #tpu.memory_space<vmem>>) target_semaphore(%arg16 : memref<!tpu.dma_semaphore, #tpu.memory_space<semaphore_mem>>)
    %scan3A_62 = arith.constant 0 : i32
    %scan3A_63 = arith.constant 0 : i32
    %scan3A_64 = arith.constant 97 : i32
    %scan3A_65 = arith.addi %scan3A_63, %scan3A_64 : i32
    %scan3A_66 = arith.constant 1 : i32
    scf.for %scan3A_232 = %scan3A_63 to %scan3A_65 step %scan3A_66  : i32 {
      %mul3A_233 = arith.constant 4 : i32
      %mul3A_234 = arith.muli %scan3A_232, %mul3A_233 : i32
      %add3A_235 = arith.constant 0 : i32
      %add3A_236 = arith.addi %mul3A_234, %add3A_235 : i32
      %add3A_237 = arith.addi %mul3A_35, %add3A_236 : i32
      %add3A_238 = arith.constant 3 : i32
      %add3A_239 = arith.addi %add3A_237, %add3A_238 : i32
      %dma_start3A_240 = arith.constant 0 : i32
      %dma_start3A_241 = arith.constant 0 : i32
      %dma_start3A_242 = tpu.memref_slice %arg3[%add3A_239, %dma_start3A_240, %dma_start3A_241] : memref<6272x4x128xi32, #tpu.memory_space<hbm>> -> memref<1x4x128xi32, #tpu.memory_space<hbm>>
      %dma_start3A_243 = tpu.memref_squeeze %dma_start3A_242 : memref<1x4x128xi32, #tpu.memory_space<hbm>> -> memref<4x128xi32, #tpu.memory_space<hbm>>
      %dma_start3A_244 = arith.constant 0 : i32
      %dma_start3A_245 = arith.constant 0 : i32
      %dma_start3A_246 = tpu.memref_slice %arg3[%add3A_239, %dma_start3A_244, %dma_start3A_245] : memref<6272x4x128xi32, #tpu.memory_space<hbm>> -> memref<1x4x128xi32, #tpu.memory_space<hbm>>
      %dma_start3A_247 = tpu.memref_squeeze %dma_start3A_246 : memref<1x4x128xi32, #tpu.memory_space<hbm>> -> memref<4x128xi32, #tpu.memory_space<hbm>>
      tpu.enqueue_dma source(%dma_start3A_247 : memref<4x128xi32, #tpu.memory_space<hbm>>) target(%arg11 : memref<4x128xi32, #tpu.memory_space<vmem>>) target_semaphore(%arg16 : memref<!tpu.dma_semaphore, #tpu.memory_space<semaphore_mem>>)
      %dma_wait3A_248 = arith.constant 0 : i32
      %dma_wait3A_249 = arith.constant 0 : i32
      %dma_wait3A_250 = arith.constant 0 : i32
      %dma_wait3A_251 = tpu.memref_slice %arg3[%dma_wait3A_248, %dma_wait3A_249, %dma_wait3A_250] : memref<6272x4x128xi32, #tpu.memory_space<hbm>> -> memref<1x4x128xi32, #tpu.memory_space<hbm>>
      %dma_wait3A_252 = tpu.memref_squeeze %dma_wait3A_251 : memref<1x4x128xi32, #tpu.memory_space<hbm>> -> memref<4x128xi32, #tpu.memory_space<hbm>>
      %dma_wait3A_253 = arith.constant 0 : i32
      %dma_wait3A_254 = arith.constant 0 : i32
      %dma_wait3A_255 = tpu.memref_slice %arg3[%dma_wait3A_248, %dma_wait3A_253, %dma_wait3A_254] : memref<6272x4x128xi32, #tpu.memory_space<hbm>> -> memref<1x4x128xi32, #tpu.memory_space<hbm>>
      %dma_wait3A_256 = tpu.memref_squeeze %dma_wait3A_255 : memref<1x4x128xi32, #tpu.memory_space<hbm>> -> memref<4x128xi32, #tpu.memory_space<hbm>>
      tpu.wait_dma2 semaphore(%arg16 : memref<!tpu.dma_semaphore, #tpu.memory_space<semaphore_mem>>) src(%dma_wait3A_256 : memref<4x128xi32, #tpu.memory_space<hbm>>) dst(%arg8 : memref<4x128xi32, #tpu.memory_space<vmem>>)
      %ge3A = arith.constant 1 : i32
      %ge3A_257 = arith.cmpi sge, %scan3A_232, %ge3A : i32
      %convert_element_type3A_258 = arith.extui %ge3A_257 : i1 to i32
      %cond3A_259 = arith.constant 0 : i32
      %cond3A_260 = arith.cmpi ne, %convert_element_type3A_258, %cond3A_259 : i32
      scf.if %cond3A_260 {
        %dma_wait3A_439 = arith.constant 0 : i32
        %dma_wait3A_440 = arith.constant 0 : i32
        %dma_wait3A_441 = tpu.memref_slice %arg2[%dma_wait3A_439, %dma_wait3A_440] : memref<50000x64xf32, #tpu.memory_space<hbm>> -> memref<128x64xf32, #tpu.memory_space<hbm>>
        %dma_wait3A_442 = arith.constant 0 : i32
        %dma_wait3A_443 = arith.constant 0 : i32
        %dma_wait3A_444 = tpu.memref_slice %arg2[%dma_wait3A_442, %dma_wait3A_443] : memref<50000x64xf32, #tpu.memory_space<hbm>> -> memref<128x64xf32, #tpu.memory_space<hbm>>
        tpu.wait_dma2 semaphore(%arg17 : memref<!tpu.dma_semaphore, #tpu.memory_space<semaphore_mem>>) src(%dma_wait3A_444 : memref<128x64xf32, #tpu.memory_space<hbm>>) dst(%arg6 : memref<128x64xf32, #tpu.memory_space<vmem>>)
      } else {
      }
      %dma_start3A_261 = arith.constant 1 : i32
      %dma_start3A_262 = arith.constant 0 : i32
      %dma_start3A_263 = tpu.memref_slice %arg9[%dma_start3A_261, %dma_start3A_262] : memref<4x128xi32, #tpu.memory_space<vmem>> -> memref<1x128xi32, #tpu.memory_space<vmem>>
      %dma_start3A_264 = tpu.memref_squeeze %dma_start3A_263 : memref<1x128xi32, #tpu.memory_space<vmem>> -> memref<128xi32, #tpu.memory_space<vmem>>
      %dma_start3A_265 = arith.constant 0 : i32
      %dma_start3A_266 = arith.constant 0 : i32
      %dma_start3A_267 = tpu.memref_slice %arg2[%dma_start3A_265, %dma_start3A_266] : memref<50000x64xf32, #tpu.memory_space<hbm>> -> memref<50000x64xf32, #tpu.memory_space<hbm>>
      tpu.enqueue_indirect_dma source(%dma_start3A_267 : memref<50000x64xf32, #tpu.memory_space<hbm>>) target(%arg7 : memref<128x64xf32, #tpu.memory_space<vmem>>) offsets(%dma_start3A_264 : memref<128xi32, #tpu.memory_space<vmem>>) semaphore(%arg15 : memref<!tpu.dma_semaphore, #tpu.memory_space<semaphore_mem>>)
      %dma_wait3A_268 = arith.constant 0 : i32
      %dma_wait3A_269 = arith.constant 0 : i32
      %dma_wait3A_270 = tpu.memref_slice %arg2[%dma_wait3A_268, %dma_wait3A_269] : memref<50000x64xf32, #tpu.memory_space<hbm>> -> memref<128x64xf32, #tpu.memory_space<hbm>>
      %dma_wait3A_271 = arith.constant 0 : i32
      %dma_wait3A_272 = arith.constant 0 : i32
      %dma_wait3A_273 = tpu.memref_slice %arg2[%dma_wait3A_271, %dma_wait3A_272] : memref<50000x64xf32, #tpu.memory_space<hbm>> -> memref<128x64xf32, #tpu.memory_space<hbm>>
      tpu.wait_dma2 semaphore(%arg15 : memref<!tpu.dma_semaphore, #tpu.memory_space<semaphore_mem>>) src(%dma_wait3A_273 : memref<128x64xf32, #tpu.memory_space<hbm>>) dst(%arg6 : memref<128x64xf32, #tpu.memory_space<vmem>>)
      %scan3A_274 = arith.constant 0 : i32
      %scan3A_275 = arith.constant 0 : i32
      %scan3A_276 = arith.constant 8 : i32
      %scan3A_277 = arith.addi %scan3A_275, %scan3A_276 : i32
      %scan3A_278 = arith.constant 1 : i32
      scf.for %scan3A_439 = %scan3A_275 to %scan3A_277 step %scan3A_278  : i32 {
        %mul3A_440 = arith.constant 16 : i32
        %mul3A_441 = arith.muli %scan3A_439, %mul3A_440 : i32
        %get3A = arith.constant 0 : i32
        %get3A_442 = arith.index_cast %get3A : i32 to index
        %get3A_443 = arith.index_cast %mul3A_441 : i32 to index
        %get3A_444 = tpu.vector_load %arg8[%get3A_442, %get3A_443] {strides = array<i32>} : memref<4x128xi32, #tpu.memory_space<vmem>>, vector<16xi32>,
        %get3A_445 = arith.constant 2 : i32
        %get3A_446 = arith.index_cast %get3A_445 : i32 to index
        %get3A_447 = arith.index_cast %mul3A_441 : i32 to index
        %get3A_448 = tpu.vector_load %arg8[%get3A_446, %get3A_447] {strides = array<i32>} : memref<4x128xi32, #tpu.memory_space<vmem>>, vector<16xi32>,
        %add3A_449 = arith.constant 15 : i32
        %add3A_450 = vector.broadcast %add3A_449 : i32 to vector<16xi32>
        %add3A_451 = arith.addi %get3A_448, %add3A_450 : vector<16xi32>
        %and3A = arith.constant 15 : i32
        %and3A_452 = vector.broadcast %and3A : i32 to vector<16xi32>
        %and3A_453 = arith.andi %add3A_451, %and3A_452 : vector<16xi32>
        %get3A_454 = arith.constant 3 : i32
        %get3A_455 = arith.index_cast %get3A_454 : i32 to index
        %get3A_456 = arith.index_cast %mul3A_441 : i32 to index
        %get3A_457 = tpu.vector_load %arg8[%get3A_455, %get3A_456] {strides = array<i32>} : memref<4x128xi32, #tpu.memory_space<vmem>>, vector<16xi32>,
        %bitcast3A = vector.bitcast %get3A_457 : vector<16xi32> to vector<16xf32>
        %ge3A_458 = vector.broadcast %mul3A_0 : i32 to vector<16xi32>
        %ge3A_459 = arith.cmpi sge, %get3A_444, %ge3A_458 : vector<16xi32>
        %add3A_460 = arith.constant 25000 : i32
        %add3A_461 = arith.addi %mul3A_0, %add3A_460 : i32
        %lt3A_462 = vector.broadcast %add3A_461 : i32 to vector<16xi32>
        %lt3A_463 = arith.cmpi slt, %get3A_444, %lt3A_462 : vector<16xi32>
        %and3A_464 = arith.andi %ge3A_459, %lt3A_463 : vector<16xi1>
        %sub3A_465 = vector.broadcast %mul3A_0 : i32 to vector<16xi32>
        %sub3A_466 = arith.subi %get3A_444, %sub3A_465 : vector<16xi32>
        %jit3A = arith.constant 25000 : i32
        %broadcast_in_dim3A = vector.broadcast %jit3A : i32 to vector<16xi32>
        %select_n3A = arith.select %and3A_464, %sub3A_466, %broadcast_in_dim3A : vector<16xi1>, vector<16xi32>
        %swap3A = arith.index_cast %mul3A_441 : i32 to index
        %swap3A_467 = tpu.vector_load %arg12[%swap3A] {strides = array<i32>} : memref<128xi32, #tpu.memory_space<vmem>>, vector<16xi32>,
        tpu.vector_store %arg12[%swap3A], %select_n3A {strides = array<i32>} : memref<128xi32, #tpu.memory_space<vmem>>, vector<16xi32>,
        %iota3A = tpu.iota {dimensions = array<i32: 0>} : vector<16xi32>
        %add3A_468 = vector.broadcast %mul3A_441 : i32 to vector<16xi32>
        %add3A_469 = arith.addi %add3A_468, %iota3A : vector<16xi32>
      }
      %scan3A_279 = arith.constant 8 : i32
      %dma_start3A_280 = arith.constant 0 : i32
      %dma_start3A_281 = arith.constant 0 : i32
      %dma_start3A_282 = tpu.memref_slice %arg18[%dma_start3A_280, %dma_start3A_281] : memref<25088x64xf32, #tpu.memory_space<vmem_shared>> -> memref<25088x64xf32, #tpu.memory_space<vmem_shared>>
      tpu.enqueue_indirect_dma source(%arg6 : memref<128x64xf32, #tpu.memory_space<vmem>>) target(%dma_start3A_282 : memref<25088x64xf32, #tpu.memory_space<vmem_shared>>) offsets(%arg12 : memref<128xi32, #tpu.memory_space<vmem>>) semaphore(%arg17 : memref<!tpu.dma_semaphore, #tpu.memory_space<semaphore_mem>>) {add = true}
      %mul3A_283 = arith.constant 4 : i32
      %mul3A_284 = arith.muli %scan3A_232, %mul3A_283 : i32
      %add3A_285 = arith.constant 1 : i32
      %add3A_286 = arith.addi %mul3A_284, %add3A_285 : i32
      %add3A_287 = arith.addi %mul3A_35, %add3A_286 : i32
      %add3A_288 = arith.constant 3 : i32
      %add3A_289 = arith.addi %add3A_287, %add3A_288 : i32
      %dma_start3A_290 = arith.constant 0 : i32
      %dma_start3A_291 = arith.constant 0 : i32
      %dma_start3A_292 = tpu.memref_slice %arg3[%add3A_289, %dma_start3A_290, %dma_start3A_291] : memref<6272x4x128xi32, #tpu.memory_space<hbm>> -> memref<1x4x128xi32, #tpu.memory_space<hbm>>
      %dma_start3A_293 = tpu.memref_squeeze %dma_start3A_292 : memref<1x4x128xi32, #tpu.memory_space<hbm>> -> memref<4x128xi32, #tpu.memory_space<hbm>>
      %dma_start3A_294 = arith.constant 0 : i32
      %dma_start3A_295 = arith.constant 0 : i32
      %dma_start3A_296 = tpu.memref_slice %arg3[%add3A_289, %dma_start3A_294, %dma_start3A_295] : memref<6272x4x128xi32, #tpu.memory_space<hbm>> -> memref<1x4x128xi32, #tpu.memory_space<hbm>>
      %dma_start3A_297 = tpu.memref_squeeze %dma_start3A_296 : memref<1x4x128xi32, #tpu.memory_space<hbm>> -> memref<4x128xi32, #tpu.memory_space<hbm>>
      tpu.enqueue_dma source(%dma_start3A_297 : memref<4x128xi32, #tpu.memory_space<hbm>>) target(%arg8 : memref<4x128xi32, #tpu.memory_space<vmem>>) target_semaphore(%arg16 : memref<!tpu.dma_semaphore, #tpu.memory_space<semaphore_mem>>)
      %dma_wait3A_298 = arith.constant 0 : i32
      %dma_wait3A_299 = arith.constant 0 : i32
      %dma_wait3A_300 = arith.constant 0 : i32
      %dma_wait3A_301 = tpu.memref_slice %arg3[%dma_wait3A_298, %dma_wait3A_299, %dma_wait3A_300] : memref<6272x4x128xi32, #tpu.memory_space<hbm>> -> memref<1x4x128xi32, #tpu.memory_space<hbm>>
      %dma_wait3A_302 = tpu.memref_squeeze %dma_wait3A_301 : memref<1x4x128xi32, #tpu.memory_space<hbm>> -> memref<4x128xi32, #tpu.memory_space<hbm>>
      %dma_wait3A_303 = arith.constant 0 : i32
      %dma_wait3A_304 = arith.constant 0 : i32
      %dma_wait3A_305 = tpu.memref_slice %arg3[%dma_wait3A_298, %dma_wait3A_303, %dma_wait3A_304] : memref<6272x4x128xi32, #tpu.memory_space<hbm>> -> memref<1x4x128xi32, #tpu.memory_space<hbm>>
      %dma_wait3A_306 = tpu.memref_squeeze %dma_wait3A_305 : memref<1x4x128xi32, #tpu.memory_space<hbm>> -> memref<4x128xi32, #tpu.memory_space<hbm>>
      tpu.wait_dma2 semaphore(%arg16 : memref<!tpu.dma_semaphore, #tpu.memory_space<semaphore_mem>>) src(%dma_wait3A_306 : memref<4x128xi32, #tpu.memory_space<hbm>>) dst(%arg8 : memref<4x128xi32, #tpu.memory_space<vmem>>)
      %dma_wait3A_307 = arith.constant 0 : i32
      %dma_wait3A_308 = arith.constant 0 : i32
      %dma_wait3A_309 = tpu.memref_slice %arg2[%dma_wait3A_307, %dma_wait3A_308] : memref<50000x64xf32, #tpu.memory_space<hbm>> -> memref<128x64xf32, #tpu.memory_space<hbm>>
      %dma_wait3A_310 = arith.constant 0 : i32
      %dma_wait3A_311 = arith.constant 0 : i32
      %dma_wait3A_312 = tpu.memref_slice %arg2[%dma_wait3A_310, %dma_wait3A_311] : memref<50000x64xf32, #tpu.memory_space<hbm>> -> memref<128x64xf32, #tpu.memory_space<hbm>>
      tpu.wait_dma2 semaphore(%arg17 : memref<!tpu.dma_semaphore, #tpu.memory_space<semaphore_mem>>) src(%dma_wait3A_312 : memref<128x64xf32, #tpu.memory_space<hbm>>) dst(%arg6 : memref<128x64xf32, #tpu.memory_space<vmem>>)
      %dma_start3A_313 = arith.constant 1 : i32
      %dma_start3A_314 = arith.constant 0 : i32
      %dma_start3A_315 = tpu.memref_slice %arg10[%dma_start3A_313, %dma_start3A_314] : memref<4x128xi32, #tpu.memory_space<vmem>> -> memref<1x128xi32, #tpu.memory_space<vmem>>
      %dma_start3A_316 = tpu.memref_squeeze %dma_start3A_315 : memref<1x128xi32, #tpu.memory_space<vmem>> -> memref<128xi32, #tpu.memory_space<vmem>>
      %dma_start3A_317 = arith.constant 0 : i32
      %dma_start3A_318 = arith.constant 0 : i32
      %dma_start3A_319 = tpu.memref_slice %arg2[%dma_start3A_317, %dma_start3A_318] : memref<50000x64xf32, #tpu.memory_space<hbm>> -> memref<50000x64xf32, #tpu.memory_space<hbm>>
      tpu.enqueue_indirect_dma source(%dma_start3A_319 : memref<50000x64xf32, #tpu.memory_space<hbm>>) target(%arg6 : memref<128x64xf32, #tpu.memory_space<vmem>>) offsets(%dma_start3A_316 : memref<128xi32, #tpu.memory_space<vmem>>) semaphore(%arg15 : memref<!tpu.dma_semaphore, #tpu.memory_space<semaphore_mem>>)
      %dma_wait3A_320 = arith.constant 0 : i32
      %dma_wait3A_321 = arith.constant 0 : i32
      %dma_wait3A_322 = tpu.memref_slice %arg2[%dma_wait3A_320, %dma_wait3A_321] : memref<50000x64xf32, #tpu.memory_space<hbm>> -> memref<128x64xf32, #tpu.memory_space<hbm>>
      %dma_wait3A_323 = arith.constant 0 : i32
      %dma_wait3A_324 = arith.constant 0 : i32
      %dma_wait3A_325 = tpu.memref_slice %arg2[%dma_wait3A_323, %dma_wait3A_324] : memref<50000x64xf32, #tpu.memory_space<hbm>> -> memref<128x64xf32, #tpu.memory_space<hbm>>
      tpu.wait_dma2 semaphore(%arg15 : memref<!tpu.dma_semaphore, #tpu.memory_space<semaphore_mem>>) src(%dma_wait3A_325 : memref<128x64xf32, #tpu.memory_space<hbm>>) dst(%arg6 : memref<128x64xf32, #tpu.memory_space<vmem>>)
      %scan3A_326 = arith.constant 0 : i32
      %scan3A_327 = arith.constant 0 : i32
      %scan3A_328 = arith.constant 8 : i32
      %scan3A_329 = arith.addi %scan3A_327, %scan3A_328 : i32
      %scan3A_330 = arith.constant 1 : i32
      scf.for %scan3A_439 = %scan3A_327 to %scan3A_329 step %scan3A_330  : i32 {
        %mul3A_440 = arith.constant 16 : i32
        %mul3A_441 = arith.muli %scan3A_439, %mul3A_440 : i32
        %get3A = arith.constant 0 : i32
        %get3A_442 = arith.index_cast %get3A : i32 to index
        %get3A_443 = arith.index_cast %mul3A_441 : i32 to index
        %get3A_444 = tpu.vector_load %arg9[%get3A_442, %get3A_443] {strides = array<i32>} : memref<4x128xi32, #tpu.memory_space<vmem>>, vector<16xi32>,
        %get3A_445 = arith.constant 2 : i32
        %get3A_446 = arith.index_cast %get3A_445 : i32 to index
        %get3A_447 = arith.index_cast %mul3A_441 : i32 to index
        %get3A_448 = tpu.vector_load %arg9[%get3A_446, %get3A_447] {strides = array<i32>} : memref<4x128xi32, #tpu.memory_space<vmem>>, vector<16xi32>,
        %add3A_449 = arith.constant 15 : i32
        %add3A_450 = vector.broadcast %add3A_449 : i32 to vector<16xi32>
        %add3A_451 = arith.addi %get3A_448, %add3A_450 : vector<16xi32>
        %and3A = arith.constant 15 : i32
        %and3A_452 = vector.broadcast %and3A : i32 to vector<16xi32>
        %and3A_453 = arith.andi %add3A_451, %and3A_452 : vector<16xi32>
        %get3A_454 = arith.constant 3 : i32
        %get3A_455 = arith.index_cast %get3A_454 : i32 to index
        %get3A_456 = arith.index_cast %mul3A_441 : i32 to index
        %get3A_457 = tpu.vector_load %arg9[%get3A_455, %get3A_456] {strides = array<i32>} : memref<4x128xi32, #tpu.memory_space<vmem>>, vector<16xi32>,
        %bitcast3A = vector.bitcast %get3A_457 : vector<16xi32> to vector<16xf32>
        %ge3A_458 = vector.broadcast %mul3A_0 : i32 to vector<16xi32>
        %ge3A_459 = arith.cmpi sge, %get3A_444, %ge3A_458 : vector<16xi32>
        %add3A_460 = arith.constant 25000 : i32
        %add3A_461 = arith.addi %mul3A_0, %add3A_460 : i32
        %lt3A_462 = vector.broadcast %add3A_461 : i32 to vector<16xi32>
        %lt3A_463 = arith.cmpi slt, %get3A_444, %lt3A_462 : vector<16xi32>
        %and3A_464 = arith.andi %ge3A_459, %lt3A_463 : vector<16xi1>
        %sub3A_465 = vector.broadcast %mul3A_0 : i32 to vector<16xi32>
        %sub3A_466 = arith.subi %get3A_444, %sub3A_465 : vector<16xi32>
        %jit3A = arith.constant 25000 : i32
        %broadcast_in_dim3A = vector.broadcast %jit3A : i32 to vector<16xi32>
        %select_n3A = arith.select %and3A_464, %sub3A_466, %broadcast_in_dim3A : vector<16xi1>, vector<16xi32>
        %swap3A = arith.index_cast %mul3A_441 : i32 to index
        %swap3A_467 = tpu.vector_load %arg13[%swap3A] {strides = array<i32>} : memref<128xi32, #tpu.memory_space<vmem>>, vector<16xi32>,
        tpu.vector_store %arg13[%swap3A], %select_n3A {strides = array<i32>} : memref<128xi32, #tpu.memory_space<vmem>>, vector<16xi32>,
        %iota3A = tpu.iota {dimensions = array<i32: 0>} : vector<16xi32>
        %add3A_468 = vector.broadcast %mul3A_441 : i32 to vector<16xi32>
        %add3A_469 = arith.addi %add3A_468, %iota3A : vector<16xi32>
      }
      %scan3A_331 = arith.constant 8 : i32
      %dma_start3A_332 = arith.constant 0 : i32
      %dma_start3A_333 = arith.constant 0 : i32
      %dma_start3A_334 = tpu.memref_slice %arg18[%dma_start3A_332, %dma_start3A_333] : memref<25088x64xf32, #tpu.memory_space<vmem_shared>> -> memref<25088x64xf32, #tpu.memory_space<vmem_shared>>
      tpu.enqueue_indirect_dma source(%arg7 : memref<128x64xf32, #tpu.memory_space<vmem>>) target(%dma_start3A_334 : memref<25088x64xf32, #tpu.memory_space<vmem_shared>>) offsets(%arg13 : memref<128xi32, #tpu.memory_space<vmem>>) semaphore(%arg17 : memref<!tpu.dma_semaphore, #tpu.memory_space<semaphore_mem>>) {add = true}
      %mul3A_335 = arith.constant 4 : i32
      %mul3A_336 = arith.muli %scan3A_232, %mul3A_335 : i32
      %add3A_337 = arith.constant 2 : i32
      %add3A_338 = arith.addi %mul3A_336, %add3A_337 : i32
      %add3A_339 = arith.addi %mul3A_35, %add3A_338 : i32
      %add3A_340 = arith.constant 3 : i32
      %add3A_341 = arith.addi %add3A_339, %add3A_340 : i32
      %dma_start3A_342 = arith.constant 0 : i32
      %dma_start3A_343 = arith.constant 0 : i32
      %dma_start3A_344 = tpu.memref_slice %arg3[%add3A_341, %dma_start3A_342, %dma_start3A_343] : memref<6272x4x128xi32, #tpu.memory_space<hbm>> -> memref<1x4x128xi32, #tpu.memory_space<hbm>>
      %dma_start3A_345 = tpu.memref_squeeze %dma_start3A_344 : memref<1x4x128xi32, #tpu.memory_space<hbm>> -> memref<4x128xi32, #tpu.memory_space<hbm>>
      %dma_start3A_346 = arith.constant 0 : i32
      %dma_start3A_347 = arith.constant 0 : i32
      %dma_start3A_348 = tpu.memref_slice %arg3[%add3A_341, %dma_start3A_346, %dma_start3A_347] : memref<6272x4x128xi32, #tpu.memory_space<hbm>> -> memref<1x4x128xi32, #tpu.memory_space<hbm>>
      %dma_start3A_349 = tpu.memref_squeeze %dma_start3A_348 : memref<1x4x128xi32, #tpu.memory_space<hbm>> -> memref<4x128xi32, #tpu.memory_space<hbm>>
      tpu.enqueue_dma source(%dma_start3A_349 : memref<4x128xi32, #tpu.memory_space<hbm>>) target(%arg9 : memref<4x128xi32, #tpu.memory_space<vmem>>) target_semaphore(%arg16 : memref<!tpu.dma_semaphore, #tpu.memory_space<semaphore_mem>>)
      %dma_wait3A_350 = arith.constant 0 : i32
      %dma_wait3A_351 = arith.constant 0 : i32
      %dma_wait3A_352 = arith.constant 0 : i32
      %dma_wait3A_353 = tpu.memref_slice %arg3[%dma_wait3A_350, %dma_wait3A_351, %dma_wait3A_352] : memref<6272x4x128xi32, #tpu.memory_space<hbm>> -> memref<1x4x128xi32, #tpu.memory_space<hbm>>
      %dma_wait3A_354 = tpu.memref_squeeze %dma_wait3A_353 : memref<1x4x128xi32, #tpu.memory_space<hbm>> -> memref<4x128xi32, #tpu.memory_space<hbm>>
      %dma_wait3A_355 = arith.constant 0 : i32
      %dma_wait3A_356 = arith.constant 0 : i32
      %dma_wait3A_357 = tpu.memref_slice %arg3[%dma_wait3A_350, %dma_wait3A_355, %dma_wait3A_356] : memref<6272x4x128xi32, #tpu.memory_space<hbm>> -> memref<1x4x128xi32, #tpu.memory_space<hbm>>
      %dma_wait3A_358 = tpu.memref_squeeze %dma_wait3A_357 : memref<1x4x128xi32, #tpu.memory_space<hbm>> -> memref<4x128xi32, #tpu.memory_space<hbm>>
      tpu.wait_dma2 semaphore(%arg16 : memref<!tpu.dma_semaphore, #tpu.memory_space<semaphore_mem>>) src(%dma_wait3A_358 : memref<4x128xi32, #tpu.memory_space<hbm>>) dst(%arg8 : memref<4x128xi32, #tpu.memory_space<vmem>>)
      %dma_wait3A_359 = arith.constant 0 : i32
      %dma_wait3A_360 = arith.constant 0 : i32
      %dma_wait3A_361 = tpu.memref_slice %arg2[%dma_wait3A_359, %dma_wait3A_360] : memref<50000x64xf32, #tpu.memory_space<hbm>> -> memref<128x64xf32, #tpu.memory_space<hbm>>
      %dma_wait3A_362 = arith.constant 0 : i32
      %dma_wait3A_363 = arith.constant 0 : i32
      %dma_wait3A_364 = tpu.memref_slice %arg2[%dma_wait3A_362, %dma_wait3A_363] : memref<50000x64xf32, #tpu.memory_space<hbm>> -> memref<128x64xf32, #tpu.memory_space<hbm>>
      tpu.wait_dma2 semaphore(%arg17 : memref<!tpu.dma_semaphore, #tpu.memory_space<semaphore_mem>>) src(%dma_wait3A_364 : memref<128x64xf32, #tpu.memory_space<hbm>>) dst(%arg6 : memref<128x64xf32, #tpu.memory_space<vmem>>)
      %dma_start3A_365 = arith.constant 1 : i32
      %dma_start3A_366 = arith.constant 0 : i32
      %dma_start3A_367 = tpu.memref_slice %arg11[%dma_start3A_365, %dma_start3A_366] : memref<4x128xi32, #tpu.memory_space<vmem>> -> memref<1x128xi32, #tpu.memory_space<vmem>>
      %dma_start3A_368 = tpu.memref_squeeze %dma_start3A_367 : memref<1x128xi32, #tpu.memory_space<vmem>> -> memref<128xi32, #tpu.memory_space<vmem>>
      %dma_start3A_369 = arith.constant 0 : i32
      %dma_start3A_370 = arith.constant 0 : i32
      %dma_start3A_371 = tpu.memref_slice %arg2[%dma_start3A_369, %dma_start3A_370] : memref<50000x64xf32, #tpu.memory_space<hbm>> -> memref<50000x64xf32, #tpu.memory_space<hbm>>
      tpu.enqueue_indirect_dma source(%dma_start3A_371 : memref<50000x64xf32, #tpu.memory_space<hbm>>) target(%arg7 : memref<128x64xf32, #tpu.memory_space<vmem>>) offsets(%dma_start3A_368 : memref<128xi32, #tpu.memory_space<vmem>>) semaphore(%arg15 : memref<!tpu.dma_semaphore, #tpu.memory_space<semaphore_mem>>)
      %dma_wait3A_372 = arith.constant 0 : i32
      %dma_wait3A_373 = arith.constant 0 : i32
      %dma_wait3A_374 = tpu.memref_slice %arg2[%dma_wait3A_372, %dma_wait3A_373] : memref<50000x64xf32, #tpu.memory_space<hbm>> -> memref<128x64xf32, #tpu.memory_space<hbm>>
      %dma_wait3A_375 = arith.constant 0 : i32
      %dma_wait3A_376 = arith.constant 0 : i32
      %dma_wait3A_377 = tpu.memref_slice %arg2[%dma_wait3A_375, %dma_wait3A_376] : memref<50000x64xf32, #tpu.memory_space<hbm>> -> memref<128x64xf32, #tpu.memory_space<hbm>>
      tpu.wait_dma2 semaphore(%arg15 : memref<!tpu.dma_semaphore, #tpu.memory_space<semaphore_mem>>) src(%dma_wait3A_377 : memref<128x64xf32, #tpu.memory_space<hbm>>) dst(%arg6 : memref<128x64xf32, #tpu.memory_space<vmem>>)
      %scan3A_378 = arith.constant 0 : i32
      %scan3A_379 = arith.constant 0 : i32
      %scan3A_380 = arith.constant 8 : i32
      %scan3A_381 = arith.addi %scan3A_379, %scan3A_380 : i32
      %scan3A_382 = arith.constant 1 : i32
      scf.for %scan3A_439 = %scan3A_379 to %scan3A_381 step %scan3A_382  : i32 {
        %mul3A_440 = arith.constant 16 : i32
        %mul3A_441 = arith.muli %scan3A_439, %mul3A_440 : i32
        %get3A = arith.constant 0 : i32
        %get3A_442 = arith.index_cast %get3A : i32 to index
        %get3A_443 = arith.index_cast %mul3A_441 : i32 to index
        %get3A_444 = tpu.vector_load %arg10[%get3A_442, %get3A_443] {strides = array<i32>} : memref<4x128xi32, #tpu.memory_space<vmem>>, vector<16xi32>,
        %get3A_445 = arith.constant 2 : i32
        %get3A_446 = arith.index_cast %get3A_445 : i32 to index
        %get3A_447 = arith.index_cast %mul3A_441 : i32 to index
        %get3A_448 = tpu.vector_load %arg10[%get3A_446, %get3A_447] {strides = array<i32>} : memref<4x128xi32, #tpu.memory_space<vmem>>, vector<16xi32>,
        %add3A_449 = arith.constant 15 : i32
        %add3A_450 = vector.broadcast %add3A_449 : i32 to vector<16xi32>
        %add3A_451 = arith.addi %get3A_448, %add3A_450 : vector<16xi32>
        %and3A = arith.constant 15 : i32
        %and3A_452 = vector.broadcast %and3A : i32 to vector<16xi32>
        %and3A_453 = arith.andi %add3A_451, %and3A_452 : vector<16xi32>
        %get3A_454 = arith.constant 3 : i32
        %get3A_455 = arith.index_cast %get3A_454 : i32 to index
        %get3A_456 = arith.index_cast %mul3A_441 : i32 to index
        %get3A_457 = tpu.vector_load %arg10[%get3A_455, %get3A_456] {strides = array<i32>} : memref<4x128xi32, #tpu.memory_space<vmem>>, vector<16xi32>,
        %bitcast3A = vector.bitcast %get3A_457 : vector<16xi32> to vector<16xf32>
        %ge3A_458 = vector.broadcast %mul3A_0 : i32 to vector<16xi32>
        %ge3A_459 = arith.cmpi sge, %get3A_444, %ge3A_458 : vector<16xi32>
        %add3A_460 = arith.constant 25000 : i32
        %add3A_461 = arith.addi %mul3A_0, %add3A_460 : i32
        %lt3A_462 = vector.broadcast %add3A_461 : i32 to vector<16xi32>
        %lt3A_463 = arith.cmpi slt, %get3A_444, %lt3A_462 : vector<16xi32>
        %and3A_464 = arith.andi %ge3A_459, %lt3A_463 : vector<16xi1>
        %sub3A_465 = vector.broadcast %mul3A_0 : i32 to vector<16xi32>
        %sub3A_466 = arith.subi %get3A_444, %sub3A_465 : vector<16xi32>
        %jit3A = arith.constant 25000 : i32
        %broadcast_in_dim3A = vector.broadcast %jit3A : i32 to vector<16xi32>
        %select_n3A = arith.select %and3A_464, %sub3A_466, %broadcast_in_dim3A : vector<16xi1>, vector<16xi32>
        %swap3A = arith.index_cast %mul3A_441 : i32 to index
        %swap3A_467 = tpu.vector_load %arg12[%swap3A] {strides = array<i32>} : memref<128xi32, #tpu.memory_space<vmem>>, vector<16xi32>,
        tpu.vector_store %arg12[%swap3A], %select_n3A {strides = array<i32>} : memref<128xi32, #tpu.memory_space<vmem>>, vector<16xi32>,
        %iota3A = tpu.iota {dimensions = array<i32: 0>} : vector<16xi32>
        %add3A_468 = vector.broadcast %mul3A_441 : i32 to vector<16xi32>
        %add3A_469 = arith.addi %add3A_468, %iota3A : vector<16xi32>
      }
      %scan3A_383 = arith.constant 8 : i32
      %dma_start3A_384 = arith.constant 0 : i32
      %dma_start3A_385 = arith.constant 0 : i32
      %dma_start3A_386 = tpu.memref_slice %arg18[%dma_start3A_384, %dma_start3A_385] : memref<25088x64xf32, #tpu.memory_space<vmem_shared>> -> memref<25088x64xf32, #tpu.memory_space<vmem_shared>>
      tpu.enqueue_indirect_dma source(%arg6 : memref<128x64xf32, #tpu.memory_space<vmem>>) target(%dma_start3A_386 : memref<25088x64xf32, #tpu.memory_space<vmem_shared>>) offsets(%arg12 : memref<128xi32, #tpu.memory_space<vmem>>) semaphore(%arg17 : memref<!tpu.dma_semaphore, #tpu.memory_space<semaphore_mem>>) {add = true}
      %mul3A_387 = arith.constant 4 : i32
      %mul3A_388 = arith.muli %scan3A_232, %mul3A_387 : i32
      %add3A_389 = arith.constant 3 : i32
      %add3A_390 = arith.addi %mul3A_388, %add3A_389 : i32
      %add3A_391 = arith.addi %mul3A_35, %add3A_390 : i32
      %add3A_392 = arith.constant 3 : i32
      %add3A_393 = arith.addi %add3A_391, %add3A_392 : i32
      %dma_start3A_394 = arith.constant 0 : i32
      %dma_start3A_395 = arith.constant 0 : i32
      %dma_start3A_396 = tpu.memref_slice %arg3[%add3A_393, %dma_start3A_394, %dma_start3A_395] : memref<6272x4x128xi32, #tpu.memory_space<hbm>> -> memref<1x4x128xi32, #tpu.memory_space<hbm>>
      %dma_start3A_397 = tpu.memref_squeeze %dma_start3A_396 : memref<1x4x128xi32, #tpu.memory_space<hbm>> -> memref<4x128xi32, #tpu.memory_space<hbm>>
      %dma_start3A_398 = arith.constant 0 : i32
      %dma_start3A_399 = arith.constant 0 : i32
      %dma_start3A_400 = tpu.memref_slice %arg3[%add3A_393, %dma_start3A_398, %dma_start3A_399] : memref<6272x4x128xi32, #tpu.memory_space<hbm>> -> memref<1x4x128xi32, #tpu.memory_space<hbm>>
      %dma_start3A_401 = tpu.memref_squeeze %dma_start3A_400 : memref<1x4x128xi32, #tpu.memory_space<hbm>> -> memref<4x128xi32, #tpu.memory_space<hbm>>
      tpu.enqueue_dma source(%dma_start3A_401 : memref<4x128xi32, #tpu.memory_space<hbm>>) target(%arg10 : memref<4x128xi32, #tpu.memory_space<vmem>>) target_semaphore(%arg16 : memref<!tpu.dma_semaphore, #tpu.memory_space<semaphore_mem>>)
      %dma_wait3A_402 = arith.constant 0 : i32
      %dma_wait3A_403 = arith.constant 0 : i32
      %dma_wait3A_404 = arith.constant 0 : i32
      %dma_wait3A_405 = tpu.memref_slice %arg3[%dma_wait3A_402, %dma_wait3A_403, %dma_wait3A_404] : memref<6272x4x128xi32, #tpu.memory_space<hbm>> -> memref<1x4x128xi32, #tpu.memory_space<hbm>>
      %dma_wait3A_406 = tpu.memref_squeeze %dma_wait3A_405 : memref<1x4x128xi32, #tpu.memory_space<hbm>> -> memref<4x128xi32, #tpu.memory_space<hbm>>
      %dma_wait3A_407 = arith.constant 0 : i32
      %dma_wait3A_408 = arith.constant 0 : i32
      %dma_wait3A_409 = tpu.memref_slice %arg3[%dma_wait3A_402, %dma_wait3A_407, %dma_wait3A_408] : memref<6272x4x128xi32, #tpu.memory_space<hbm>> -> memref<1x4x128xi32, #tpu.memory_space<hbm>>
      %dma_wait3A_410 = tpu.memref_squeeze %dma_wait3A_409 : memref<1x4x128xi32, #tpu.memory_space<hbm>> -> memref<4x128xi32, #tpu.memory_space<hbm>>
      tpu.wait_dma2 semaphore(%arg16 : memref<!tpu.dma_semaphore, #tpu.memory_space<semaphore_mem>>) src(%dma_wait3A_410 : memref<4x128xi32, #tpu.memory_space<hbm>>) dst(%arg8 : memref<4x128xi32, #tpu.memory_space<vmem>>)
      %dma_wait3A_411 = arith.constant 0 : i32
      %dma_wait3A_412 = arith.constant 0 : i32
      %dma_wait3A_413 = tpu.memref_slice %arg2[%dma_wait3A_411, %dma_wait3A_412] : memref<50000x64xf32, #tpu.memory_space<hbm>> -> memref<128x64xf32, #tpu.memory_space<hbm>>
      %dma_wait3A_414 = arith.constant 0 : i32
      %dma_wait3A_415 = arith.constant 0 : i32
      %dma_wait3A_416 = tpu.memref_slice %arg2[%dma_wait3A_414, %dma_wait3A_415] : memref<50000x64xf32, #tpu.memory_space<hbm>> -> memref<128x64xf32, #tpu.memory_space<hbm>>
      tpu.wait_dma2 semaphore(%arg17 : memref<!tpu.dma_semaphore, #tpu.memory_space<semaphore_mem>>) src(%dma_wait3A_416 : memref<128x64xf32, #tpu.memory_space<hbm>>) dst(%arg6 : memref<128x64xf32, #tpu.memory_space<vmem>>)
      %dma_start3A_417 = arith.constant 1 : i32
      %dma_start3A_418 = arith.constant 0 : i32
      %dma_start3A_419 = tpu.memref_slice %arg8[%dma_start3A_417, %dma_start3A_418] : memref<4x128xi32, #tpu.memory_space<vmem>> -> memref<1x128xi32, #tpu.memory_space<vmem>>
      %dma_start3A_420 = tpu.memref_squeeze %dma_start3A_419 : memref<1x128xi32, #tpu.memory_space<vmem>> -> memref<128xi32, #tpu.memory_space<vmem>>
      %dma_start3A_421 = arith.constant 0 : i32
      %dma_start3A_422 = arith.constant 0 : i32
      %dma_start3A_423 = tpu.memref_slice %arg2[%dma_start3A_421, %dma_start3A_422] : memref<50000x64xf32, #tpu.memory_space<hbm>> -> memref<50000x64xf32, #tpu.memory_space<hbm>>
      tpu.enqueue_indirect_dma source(%dma_start3A_423 : memref<50000x64xf32, #tpu.memory_space<hbm>>) target(%arg6 : memref<128x64xf32, #tpu.memory_space<vmem>>) offsets(%dma_start3A_420 : memref<128xi32, #tpu.memory_space<vmem>>) semaphore(%arg15 : memref<!tpu.dma_semaphore, #tpu.memory_space<semaphore_mem>>)
      %dma_wait3A_424 = arith.constant 0 : i32
      %dma_wait3A_425 = arith.constant 0 : i32
      %dma_wait3A_426 = tpu.memref_slice %arg2[%dma_wait3A_424, %dma_wait3A_425] : memref<50000x64xf32, #tpu.memory_space<hbm>> -> memref<128x64xf32, #tpu.memory_space<hbm>>
      %dma_wait3A_427 = arith.constant 0 : i32
      %dma_wait3A_428 = arith.constant 0 : i32
      %dma_wait3A_429 = tpu.memref_slice %arg2[%dma_wait3A_427, %dma_wait3A_428] : memref<50000x64xf32, #tpu.memory_space<hbm>> -> memref<128x64xf32, #tpu.memory_space<hbm>>
      tpu.wait_dma2 semaphore(%arg15 : memref<!tpu.dma_semaphore, #tpu.memory_space<semaphore_mem>>) src(%dma_wait3A_429 : memref<128x64xf32, #tpu.memory_space<hbm>>) dst(%arg6 : memref<128x64xf32, #tpu.memory_space<vmem>>)
      %scan3A_430 = arith.constant 0 : i32
      %scan3A_431 = arith.constant 0 : i32
      %scan3A_432 = arith.constant 8 : i32
      %scan3A_433 = arith.addi %scan3A_431, %scan3A_432 : i32
      %scan3A_434 = arith.constant 1 : i32
      scf.for %scan3A_439 = %scan3A_431 to %scan3A_433 step %scan3A_434  : i32 {
        %mul3A_440 = arith.constant 16 : i32
        %mul3A_441 = arith.muli %scan3A_439, %mul3A_440 : i32
        %get3A = arith.constant 0 : i32
        %get3A_442 = arith.index_cast %get3A : i32 to index
        %get3A_443 = arith.index_cast %mul3A_441 : i32 to index
        %get3A_444 = tpu.vector_load %arg11[%get3A_442, %get3A_443] {strides = array<i32>} : memref<4x128xi32, #tpu.memory_space<vmem>>, vector<16xi32>,
        %get3A_445 = arith.constant 2 : i32
        %get3A_446 = arith.index_cast %get3A_445 : i32 to index
        %get3A_447 = arith.index_cast %mul3A_441 : i32 to index
        %get3A_448 = tpu.vector_load %arg11[%get3A_446, %get3A_447] {strides = array<i32>} : memref<4x128xi32, #tpu.memory_space<vmem>>, vector<16xi32>,
        %add3A_449 = arith.constant 15 : i32
        %add3A_450 = vector.broadcast %add3A_449 : i32 to vector<16xi32>
        %add3A_451 = arith.addi %get3A_448, %add3A_450 : vector<16xi32>
        %and3A = arith.constant 15 : i32
        %and3A_452 = vector.broadcast %and3A : i32 to vector<16xi32>
        %and3A_453 = arith.andi %add3A_451, %and3A_452 : vector<16xi32>
        %get3A_454 = arith.constant 3 : i32
        %get3A_455 = arith.index_cast %get3A_454 : i32 to index
        %get3A_456 = arith.index_cast %mul3A_441 : i32 to index
        %get3A_457 = tpu.vector_load %arg11[%get3A_455, %get3A_456] {strides = array<i32>} : memref<4x128xi32, #tpu.memory_space<vmem>>, vector<16xi32>,
        %bitcast3A = vector.bitcast %get3A_457 : vector<16xi32> to vector<16xf32>
        %ge3A_458 = vector.broadcast %mul3A_0 : i32 to vector<16xi32>
        %ge3A_459 = arith.cmpi sge, %get3A_444, %ge3A_458 : vector<16xi32>
        %add3A_460 = arith.constant 25000 : i32
        %add3A_461 = arith.addi %mul3A_0, %add3A_460 : i32
        %lt3A_462 = vector.broadcast %add3A_461 : i32 to vector<16xi32>
        %lt3A_463 = arith.cmpi slt, %get3A_444, %lt3A_462 : vector<16xi32>
        %and3A_464 = arith.andi %ge3A_459, %lt3A_463 : vector<16xi1>
        %sub3A_465 = vector.broadcast %mul3A_0 : i32 to vector<16xi32>
        %sub3A_466 = arith.subi %get3A_444, %sub3A_465 : vector<16xi32>
        %jit3A = arith.constant 25000 : i32
        %broadcast_in_dim3A = vector.broadcast %jit3A : i32 to vector<16xi32>
        %select_n3A = arith.select %and3A_464, %sub3A_466, %broadcast_in_dim3A : vector<16xi1>, vector<16xi32>
        %swap3A = arith.index_cast %mul3A_441 : i32 to index
        %swap3A_467 = tpu.vector_load %arg13[%swap3A] {strides = array<i32>} : memref<128xi32, #tpu.memory_space<vmem>>, vector<16xi32>,
        tpu.vector_store %arg13[%swap3A], %select_n3A {strides = array<i32>} : memref<128xi32, #tpu.memory_space<vmem>>, vector<16xi32>,
        %iota3A = tpu.iota {dimensions = array<i32: 0>} : vector<16xi32>
        %add3A_468 = vector.broadcast %mul3A_441 : i32 to vector<16xi32>
        %add3A_469 = arith.addi %add3A_468, %iota3A : vector<16xi32>
      }
      %scan3A_435 = arith.constant 8 : i32
      %dma_start3A_436 = arith.constant 0 : i32
      %dma_start3A_437 = arith.constant 0 : i32
      %dma_start3A_438 = tpu.memref_slice %arg18[%dma_start3A_436, %dma_start3A_437] : memref<25088x64xf32, #tpu.memory_space<vmem_shared>> -> memref<25088x64xf32, #tpu.memory_space<vmem_shared>>
      tpu.enqueue_indirect_dma source(%arg7 : memref<128x64xf32, #tpu.memory_space<vmem>>) target(%dma_start3A_438 : memref<25088x64xf32, #tpu.memory_space<vmem_shared>>) offsets(%arg13 : memref<128xi32, #tpu.memory_space<vmem>>) semaphore(%arg17 : memref<!tpu.dma_semaphore, #tpu.memory_space<semaphore_mem>>) {add = true}
    }
    %scan3A_67 = arith.constant 97 : i32
    %add3A_68 = arith.constant 388 : i32
    %add3A_69 = arith.addi %mul3A_35, %add3A_68 : i32
    %add3A_70 = arith.constant 3 : i32
    %add3A_71 = arith.addi %add3A_69, %add3A_70 : i32
    %dma_start3A_72 = arith.constant 0 : i32
    %dma_start3A_73 = arith.constant 0 : i32
    %dma_start3A_74 = tpu.memref_slice %arg3[%add3A_71, %dma_start3A_72, %dma_start3A_73] : memref<6272x4x128xi32, #tpu.memory_space<hbm>> -> memref<1x4x128xi32, #tpu.memory_space<hbm>>
    %dma_start3A_75 = tpu.memref_squeeze %dma_start3A_74 : memref<1x4x128xi32, #tpu.memory_space<hbm>> -> memref<4x128xi32, #tpu.memory_space<hbm>>
    %dma_start3A_76 = arith.constant 0 : i32
    %dma_start3A_77 = arith.constant 0 : i32
    %dma_start3A_78 = tpu.memref_slice %arg3[%add3A_71, %dma_start3A_76, %dma_start3A_77] : memref<6272x4x128xi32, #tpu.memory_space<hbm>> -> memref<1x4x128xi32, #tpu.memory_space<hbm>>
    %dma_start3A_79 = tpu.memref_squeeze %dma_start3A_78 : memref<1x4x128xi32, #tpu.memory_space<hbm>> -> memref<4x128xi32, #tpu.memory_space<hbm>>
    tpu.enqueue_dma source(%dma_start3A_79 : memref<4x128xi32, #tpu.memory_space<hbm>>) target(%arg11 : memref<4x128xi32, #tpu.memory_space<vmem>>) target_semaphore(%arg16 : memref<!tpu.dma_semaphore, #tpu.memory_space<semaphore_mem>>)
    %dma_wait3A = arith.constant 0 : i32
    %dma_wait3A_80 = arith.constant 0 : i32
    %dma_wait3A_81 = arith.constant 0 : i32
    %dma_wait3A_82 = tpu.memref_slice %arg3[%dma_wait3A, %dma_wait3A_80, %dma_wait3A_81] : memref<6272x4x128xi32, #tpu.memory_space<hbm>> -> memref<1x4x128xi32, #tpu.memory_space<hbm>>
    %dma_wait3A_83 = tpu.memref_squeeze %dma_wait3A_82 : memref<1x4x128xi32, #tpu.memory_space<hbm>> -> memref<4x128xi32, #tpu.memory_space<hbm>>
    %dma_wait3A_84 = arith.constant 0 : i32
    %dma_wait3A_85 = arith.constant 0 : i32
    %dma_wait3A_86 = tpu.memref_slice %arg3[%dma_wait3A, %dma_wait3A_84, %dma_wait3A_85] : memref<6272x4x128xi32, #tpu.memory_space<hbm>> -> memref<1x4x128xi32, #tpu.memory_space<hbm>>
    %dma_wait3A_87 = tpu.memref_squeeze %dma_wait3A_86 : memref<1x4x128xi32, #tpu.memory_space<hbm>> -> memref<4x128xi32, #tpu.memory_space<hbm>>
    tpu.wait_dma2 semaphore(%arg16 : memref<!tpu.dma_semaphore, #tpu.memory_space<semaphore_mem>>) src(%dma_wait3A_87 : memref<4x128xi32, #tpu.memory_space<hbm>>) dst(%arg8 : memref<4x128xi32, #tpu.memory_space<vmem>>)
    %dma_wait3A_88 = arith.constant 0 : i32
    %dma_wait3A_89 = arith.constant 0 : i32
    %dma_wait3A_90 = tpu.memref_slice %arg2[%dma_wait3A_88, %dma_wait3A_89] : memref<50000x64xf32, #tpu.memory_space<hbm>> -> memref<128x64xf32, #tpu.memory_space<hbm>>
    %dma_wait3A_91 = arith.constant 0 : i32
    %dma_wait3A_92 = arith.constant 0 : i32
    %dma_wait3A_93 = tpu.memref_slice %arg2[%dma_wait3A_91, %dma_wait3A_92] : memref<50000x64xf32, #tpu.memory_space<hbm>> -> memref<128x64xf32, #tpu.memory_space<hbm>>
    tpu.wait_dma2 semaphore(%arg17 : memref<!tpu.dma_semaphore, #tpu.memory_space<semaphore_mem>>) src(%dma_wait3A_93 : memref<128x64xf32, #tpu.memory_space<hbm>>) dst(%arg6 : memref<128x64xf32, #tpu.memory_space<vmem>>)
    %dma_start3A_94 = arith.constant 1 : i32
    %dma_start3A_95 = arith.constant 0 : i32
    %dma_start3A_96 = tpu.memref_slice %arg9[%dma_start3A_94, %dma_start3A_95] : memref<4x128xi32, #tpu.memory_space<vmem>> -> memref<1x128xi32, #tpu.memory_space<vmem>>
    %dma_start3A_97 = tpu.memref_squeeze %dma_start3A_96 : memref<1x128xi32, #tpu.memory_space<vmem>> -> memref<128xi32, #tpu.memory_space<vmem>>
    %dma_start3A_98 = arith.constant 0 : i32
    %dma_start3A_99 = arith.constant 0 : i32
    %dma_start3A_100 = tpu.memref_slice %arg2[%dma_start3A_98, %dma_start3A_99] : memref<50000x64xf32, #tpu.memory_space<hbm>> -> memref<50000x64xf32, #tpu.memory_space<hbm>>
    tpu.enqueue_indirect_dma source(%dma_start3A_100 : memref<50000x64xf32, #tpu.memory_space<hbm>>) target(%arg7 : memref<128x64xf32, #tpu.memory_space<vmem>>) offsets(%dma_start3A_97 : memref<128xi32, #tpu.memory_space<vmem>>) semaphore(%arg15 : memref<!tpu.dma_semaphore, #tpu.memory_space<semaphore_mem>>)
    %dma_wait3A_101 = arith.constant 0 : i32
    %dma_wait3A_102 = arith.constant 0 : i32
    %dma_wait3A_103 = tpu.memref_slice %arg2[%dma_wait3A_101, %dma_wait3A_102] : memref<50000x64xf32, #tpu.memory_space<hbm>> -> memref<128x64xf32, #tpu.memory_space<hbm>>
    %dma_wait3A_104 = arith.constant 0 : i32
    %dma_wait3A_105 = arith.constant 0 : i32
    %dma_wait3A_106 = tpu.memref_slice %arg2[%dma_wait3A_104, %dma_wait3A_105] : memref<50000x64xf32, #tpu.memory_space<hbm>> -> memref<128x64xf32, #tpu.memory_space<hbm>>
    tpu.wait_dma2 semaphore(%arg15 : memref<!tpu.dma_semaphore, #tpu.memory_space<semaphore_mem>>) src(%dma_wait3A_106 : memref<128x64xf32, #tpu.memory_space<hbm>>) dst(%arg6 : memref<128x64xf32, #tpu.memory_space<vmem>>)
    %scan3A_107 = arith.constant 0 : i32
    %scan3A_108 = arith.constant 0 : i32
    %scan3A_109 = arith.constant 8 : i32
    %scan3A_110 = arith.addi %scan3A_108, %scan3A_109 : i32
    %scan3A_111 = arith.constant 1 : i32
    scf.for %scan3A_232 = %scan3A_108 to %scan3A_110 step %scan3A_111  : i32 {
      %mul3A_233 = arith.constant 16 : i32
      %mul3A_234 = arith.muli %scan3A_232, %mul3A_233 : i32
      %get3A = arith.constant 0 : i32
      %get3A_235 = arith.index_cast %get3A : i32 to index
      %get3A_236 = arith.index_cast %mul3A_234 : i32 to index
      %get3A_237 = tpu.vector_load %arg8[%get3A_235, %get3A_236] {strides = array<i32>} : memref<4x128xi32, #tpu.memory_space<vmem>>, vector<16xi32>,
      %get3A_238 = arith.constant 2 : i32
      %get3A_239 = arith.index_cast %get3A_238 : i32 to index
      %get3A_240 = arith.index_cast %mul3A_234 : i32 to index
      %get3A_241 = tpu.vector_load %arg8[%get3A_239, %get3A_240] {strides = array<i32>} : memref<4x128xi32, #tpu.memory_space<vmem>>, vector<16xi32>,
      %add3A_242 = arith.constant 15 : i32
      %add3A_243 = vector.broadcast %add3A_242 : i32 to vector<16xi32>
      %add3A_244 = arith.addi %get3A_241, %add3A_243 : vector<16xi32>
      %and3A = arith.constant 15 : i32
      %and3A_245 = vector.broadcast %and3A : i32 to vector<16xi32>
      %and3A_246 = arith.andi %add3A_244, %and3A_245 : vector<16xi32>
      %get3A_247 = arith.constant 3 : i32
      %get3A_248 = arith.index_cast %get3A_247 : i32 to index
      %get3A_249 = arith.index_cast %mul3A_234 : i32 to index
      %get3A_250 = tpu.vector_load %arg8[%get3A_248, %get3A_249] {strides = array<i32>} : memref<4x128xi32, #tpu.memory_space<vmem>>, vector<16xi32>,
      %bitcast3A = vector.bitcast %get3A_250 : vector<16xi32> to vector<16xf32>
      %ge3A = vector.broadcast %mul3A_0 : i32 to vector<16xi32>
      %ge3A_251 = arith.cmpi sge, %get3A_237, %ge3A : vector<16xi32>
      %add3A_252 = arith.constant 25000 : i32
      %add3A_253 = arith.addi %mul3A_0, %add3A_252 : i32
      %lt3A_254 = vector.broadcast %add3A_253 : i32 to vector<16xi32>
      %lt3A_255 = arith.cmpi slt, %get3A_237, %lt3A_254 : vector<16xi32>
      %and3A_256 = arith.andi %ge3A_251, %lt3A_255 : vector<16xi1>
      %sub3A_257 = vector.broadcast %mul3A_0 : i32 to vector<16xi32>
      %sub3A_258 = arith.subi %get3A_237, %sub3A_257 : vector<16xi32>
      %jit3A = arith.constant 25000 : i32
      %broadcast_in_dim3A = vector.broadcast %jit3A : i32 to vector<16xi32>
      %select_n3A = arith.select %and3A_256, %sub3A_258, %broadcast_in_dim3A : vector<16xi1>, vector<16xi32>
      %swap3A = arith.index_cast %mul3A_234 : i32 to index
      %swap3A_259 = tpu.vector_load %arg12[%swap3A] {strides = array<i32>} : memref<128xi32, #tpu.memory_space<vmem>>, vector<16xi32>,
      tpu.vector_store %arg12[%swap3A], %select_n3A {strides = array<i32>} : memref<128xi32, #tpu.memory_space<vmem>>, vector<16xi32>,
      %iota3A = tpu.iota {dimensions = array<i32: 0>} : vector<16xi32>
      %add3A_260 = vector.broadcast %mul3A_234 : i32 to vector<16xi32>
      %add3A_261 = arith.addi %add3A_260, %iota3A : vector<16xi32>
    }
    %scan3A_112 = arith.constant 8 : i32
    %dma_start3A_113 = arith.constant 0 : i32
    %dma_start3A_114 = arith.constant 0 : i32
    %dma_start3A_115 = tpu.memref_slice %arg18[%dma_start3A_113, %dma_start3A_114] : memref<25088x64xf32, #tpu.memory_space<vmem_shared>> -> memref<25088x64xf32, #tpu.memory_space<vmem_shared>>
    tpu.enqueue_indirect_dma source(%arg6 : memref<128x64xf32, #tpu.memory_space<vmem>>) target(%dma_start3A_115 : memref<25088x64xf32, #tpu.memory_space<vmem_shared>>) offsets(%arg12 : memref<128xi32, #tpu.memory_space<vmem>>) semaphore(%arg17 : memref<!tpu.dma_semaphore, #tpu.memory_space<semaphore_mem>>) {add = true}
    %add3A_116 = arith.constant 389 : i32
    %add3A_117 = arith.addi %mul3A_35, %add3A_116 : i32
    %dma_wait3A_118 = arith.constant 0 : i32
    %dma_wait3A_119 = arith.constant 0 : i32
    %dma_wait3A_120 = arith.constant 0 : i32
    %dma_wait3A_121 = tpu.memref_slice %arg3[%dma_wait3A_118, %dma_wait3A_119, %dma_wait3A_120] : memref<6272x4x128xi32, #tpu.memory_space<hbm>> -> memref<1x4x128xi32, #tpu.memory_space<hbm>>
    %dma_wait3A_122 = tpu.memref_squeeze %dma_wait3A_121 : memref<1x4x128xi32, #tpu.memory_space<hbm>> -> memref<4x128xi32, #tpu.memory_space<hbm>>
    %dma_wait3A_123 = arith.constant 0 : i32
    %dma_wait3A_124 = arith.constant 0 : i32
    %dma_wait3A_125 = tpu.memref_slice %arg3[%dma_wait3A_118, %dma_wait3A_123, %dma_wait3A_124] : memref<6272x4x128xi32, #tpu.memory_space<hbm>> -> memref<1x4x128xi32, #tpu.memory_space<hbm>>
    %dma_wait3A_126 = tpu.memref_squeeze %dma_wait3A_125 : memref<1x4x128xi32, #tpu.memory_space<hbm>> -> memref<4x128xi32, #tpu.memory_space<hbm>>
    tpu.wait_dma2 semaphore(%arg16 : memref<!tpu.dma_semaphore, #tpu.memory_space<semaphore_mem>>) src(%dma_wait3A_126 : memref<4x128xi32, #tpu.memory_space<hbm>>) dst(%arg8 : memref<4x128xi32, #tpu.memory_space<vmem>>)
    %dma_wait3A_127 = arith.constant 0 : i32
    %dma_wait3A_128 = arith.constant 0 : i32
    %dma_wait3A_129 = tpu.memref_slice %arg2[%dma_wait3A_127, %dma_wait3A_128] : memref<50000x64xf32, #tpu.memory_space<hbm>> -> memref<128x64xf32, #tpu.memory_space<hbm>>
    %dma_wait3A_130 = arith.constant 0 : i32
    %dma_wait3A_131 = arith.constant 0 : i32
    %dma_wait3A_132 = tpu.memref_slice %arg2[%dma_wait3A_130, %dma_wait3A_131] : memref<50000x64xf32, #tpu.memory_space<hbm>> -> memref<128x64xf32, #tpu.memory_space<hbm>>
    tpu.wait_dma2 semaphore(%arg17 : memref<!tpu.dma_semaphore, #tpu.memory_space<semaphore_mem>>) src(%dma_wait3A_132 : memref<128x64xf32, #tpu.memory_space<hbm>>) dst(%arg6 : memref<128x64xf32, #tpu.memory_space<vmem>>)
    %dma_start3A_133 = arith.constant 1 : i32
    %dma_start3A_134 = arith.constant 0 : i32
    %dma_start3A_135 = tpu.memref_slice %arg10[%dma_start3A_133, %dma_start3A_134] : memref<4x128xi32, #tpu.memory_space<vmem>> -> memref<1x128xi32, #tpu.memory_space<vmem>>
    %dma_start3A_136 = tpu.memref_squeeze %dma_start3A_135 : memref<1x128xi32, #tpu.memory_space<vmem>> -> memref<128xi32, #tpu.memory_space<vmem>>
    %dma_start3A_137 = arith.constant 0 : i32
    %dma_start3A_138 = arith.constant 0 : i32
    %dma_start3A_139 = tpu.memref_slice %arg2[%dma_start3A_137, %dma_start3A_138] : memref<50000x64xf32, #tpu.memory_space<hbm>> -> memref<50000x64xf32, #tpu.memory_space<hbm>>
    tpu.enqueue_indirect_dma source(%dma_start3A_139 : memref<50000x64xf32, #tpu.memory_space<hbm>>) target(%arg6 : memref<128x64xf32, #tpu.memory_space<vmem>>) offsets(%dma_start3A_136 : memref<128xi32, #tpu.memory_space<vmem>>) semaphore(%arg15 : memref<!tpu.dma_semaphore, #tpu.memory_space<semaphore_mem>>)
    %dma_wait3A_140 = arith.constant 0 : i32
    %dma_wait3A_141 = arith.constant 0 : i32
    %dma_wait3A_142 = tpu.memref_slice %arg2[%dma_wait3A_140, %dma_wait3A_141] : memref<50000x64xf32, #tpu.memory_space<hbm>> -> memref<128x64xf32, #tpu.memory_space<hbm>>
    %dma_wait3A_143 = arith.constant 0 : i32
    %dma_wait3A_144 = arith.constant 0 : i32
    %dma_wait3A_145 = tpu.memref_slice %arg2[%dma_wait3A_143, %dma_wait3A_144] : memref<50000x64xf32, #tpu.memory_space<hbm>> -> memref<128x64xf32, #tpu.memory_space<hbm>>
    tpu.wait_dma2 semaphore(%arg15 : memref<!tpu.dma_semaphore, #tpu.memory_space<semaphore_mem>>) src(%dma_wait3A_145 : memref<128x64xf32, #tpu.memory_space<hbm>>) dst(%arg6 : memref<128x64xf32, #tpu.memory_space<vmem>>)
    %scan3A_146 = arith.constant 0 : i32
    %scan3A_147 = arith.constant 0 : i32
    %scan3A_148 = arith.constant 8 : i32
    %scan3A_149 = arith.addi %scan3A_147, %scan3A_148 : i32
    %scan3A_150 = arith.constant 1 : i32
    scf.for %scan3A_232 = %scan3A_147 to %scan3A_149 step %scan3A_150  : i32 {
      %mul3A_233 = arith.constant 16 : i32
      %mul3A_234 = arith.muli %scan3A_232, %mul3A_233 : i32
      %get3A = arith.constant 0 : i32
      %get3A_235 = arith.index_cast %get3A : i32 to index
      %get3A_236 = arith.index_cast %mul3A_234 : i32 to index
      %get3A_237 = tpu.vector_load %arg9[%get3A_235, %get3A_236] {strides = array<i32>} : memref<4x128xi32, #tpu.memory_space<vmem>>, vector<16xi32>,
      %get3A_238 = arith.constant 2 : i32
      %get3A_239 = arith.index_cast %get3A_238 : i32 to index
      %get3A_240 = arith.index_cast %mul3A_234 : i32 to index
      %get3A_241 = tpu.vector_load %arg9[%get3A_239, %get3A_240] {strides = array<i32>} : memref<4x128xi32, #tpu.memory_space<vmem>>, vector<16xi32>,
      %add3A_242 = arith.constant 15 : i32
      %add3A_243 = vector.broadcast %add3A_242 : i32 to vector<16xi32>
      %add3A_244 = arith.addi %get3A_241, %add3A_243 : vector<16xi32>
      %and3A = arith.constant 15 : i32
      %and3A_245 = vector.broadcast %and3A : i32 to vector<16xi32>
      %and3A_246 = arith.andi %add3A_244, %and3A_245 : vector<16xi32>
      %get3A_247 = arith.constant 3 : i32
      %get3A_248 = arith.index_cast %get3A_247 : i32 to index
      %get3A_249 = arith.index_cast %mul3A_234 : i32 to index
      %get3A_250 = tpu.vector_load %arg9[%get3A_248, %get3A_249] {strides = array<i32>} : memref<4x128xi32, #tpu.memory_space<vmem>>, vector<16xi32>,
      %bitcast3A = vector.bitcast %get3A_250 : vector<16xi32> to vector<16xf32>
      %ge3A = vector.broadcast %mul3A_0 : i32 to vector<16xi32>
      %ge3A_251 = arith.cmpi sge, %get3A_237, %ge3A : vector<16xi32>
      %add3A_252 = arith.constant 25000 : i32
      %add3A_253 = arith.addi %mul3A_0, %add3A_252 : i32
      %lt3A_254 = vector.broadcast %add3A_253 : i32 to vector<16xi32>
      %lt3A_255 = arith.cmpi slt, %get3A_237, %lt3A_254 : vector<16xi32>
      %and3A_256 = arith.andi %ge3A_251, %lt3A_255 : vector<16xi1>
      %sub3A_257 = vector.broadcast %mul3A_0 : i32 to vector<16xi32>
      %sub3A_258 = arith.subi %get3A_237, %sub3A_257 : vector<16xi32>
      %jit3A = arith.constant 25000 : i32
      %broadcast_in_dim3A = vector.broadcast %jit3A : i32 to vector<16xi32>
      %select_n3A = arith.select %and3A_256, %sub3A_258, %broadcast_in_dim3A : vector<16xi1>, vector<16xi32>
      %swap3A = arith.index_cast %mul3A_234 : i32 to index
      %swap3A_259 = tpu.vector_load %arg13[%swap3A] {strides = array<i32>} : memref<128xi32, #tpu.memory_space<vmem>>, vector<16xi32>,
      tpu.vector_store %arg13[%swap3A], %select_n3A {strides = array<i32>} : memref<128xi32, #tpu.memory_space<vmem>>, vector<16xi32>,
      %iota3A = tpu.iota {dimensions = array<i32: 0>} : vector<16xi32>
      %add3A_260 = vector.broadcast %mul3A_234 : i32 to vector<16xi32>
      %add3A_261 = arith.addi %add3A_260, %iota3A : vector<16xi32>
    }
    %scan3A_151 = arith.constant 8 : i32
    %dma_start3A_152 = arith.constant 0 : i32
    %dma_start3A_153 = arith.constant 0 : i32
    %dma_start3A_154 = tpu.memref_slice %arg18[%dma_start3A_152, %dma_start3A_153] : memref<25088x64xf32, #tpu.memory_space<vmem_shared>> -> memref<25088x64xf32, #tpu.memory_space<vmem_shared>>
    tpu.enqueue_indirect_dma source(%arg7 : memref<128x64xf32, #tpu.memory_space<vmem>>) target(%dma_start3A_154 : memref<25088x64xf32, #tpu.memory_space<vmem_shared>>) offsets(%arg13 : memref<128xi32, #tpu.memory_space<vmem>>) semaphore(%arg17 : memref<!tpu.dma_semaphore, #tpu.memory_space<semaphore_mem>>) {add = true}
    %add3A_155 = arith.constant 390 : i32
    %add3A_156 = arith.addi %mul3A_35, %add3A_155 : i32
    %dma_wait3A_157 = arith.constant 0 : i32
    %dma_wait3A_158 = arith.constant 0 : i32
    %dma_wait3A_159 = arith.constant 0 : i32
    %dma_wait3A_160 = tpu.memref_slice %arg3[%dma_wait3A_157, %dma_wait3A_158, %dma_wait3A_159] : memref<6272x4x128xi32, #tpu.memory_space<hbm>> -> memref<1x4x128xi32, #tpu.memory_space<hbm>>
    %dma_wait3A_161 = tpu.memref_squeeze %dma_wait3A_160 : memref<1x4x128xi32, #tpu.memory_space<hbm>> -> memref<4x128xi32, #tpu.memory_space<hbm>>
    %dma_wait3A_162 = arith.constant 0 : i32
    %dma_wait3A_163 = arith.constant 0 : i32
    %dma_wait3A_164 = tpu.memref_slice %arg3[%dma_wait3A_157, %dma_wait3A_162, %dma_wait3A_163] : memref<6272x4x128xi32, #tpu.memory_space<hbm>> -> memref<1x4x128xi32, #tpu.memory_space<hbm>>
    %dma_wait3A_165 = tpu.memref_squeeze %dma_wait3A_164 : memref<1x4x128xi32, #tpu.memory_space<hbm>> -> memref<4x128xi32, #tpu.memory_space<hbm>>
    tpu.wait_dma2 semaphore(%arg16 : memref<!tpu.dma_semaphore, #tpu.memory_space<semaphore_mem>>) src(%dma_wait3A_165 : memref<4x128xi32, #tpu.memory_space<hbm>>) dst(%arg8 : memref<4x128xi32, #tpu.memory_space<vmem>>)
    %dma_wait3A_166 = arith.constant 0 : i32
    %dma_wait3A_167 = arith.constant 0 : i32
    %dma_wait3A_168 = tpu.memref_slice %arg2[%dma_wait3A_166, %dma_wait3A_167] : memref<50000x64xf32, #tpu.memory_space<hbm>> -> memref<128x64xf32, #tpu.memory_space<hbm>>
    %dma_wait3A_169 = arith.constant 0 : i32
    %dma_wait3A_170 = arith.constant 0 : i32
    %dma_wait3A_171 = tpu.memref_slice %arg2[%dma_wait3A_169, %dma_wait3A_170] : memref<50000x64xf32, #tpu.memory_space<hbm>> -> memref<128x64xf32, #tpu.memory_space<hbm>>
    tpu.wait_dma2 semaphore(%arg17 : memref<!tpu.dma_semaphore, #tpu.memory_space<semaphore_mem>>) src(%dma_wait3A_171 : memref<128x64xf32, #tpu.memory_space<hbm>>) dst(%arg6 : memref<128x64xf32, #tpu.memory_space<vmem>>)
    %dma_start3A_172 = arith.constant 1 : i32
    %dma_start3A_173 = arith.constant 0 : i32
    %dma_start3A_174 = tpu.memref_slice %arg11[%dma_start3A_172, %dma_start3A_173] : memref<4x128xi32, #tpu.memory_space<vmem>> -> memref<1x128xi32, #tpu.memory_space<vmem>>
    %dma_start3A_175 = tpu.memref_squeeze %dma_start3A_174 : memref<1x128xi32, #tpu.memory_space<vmem>> -> memref<128xi32, #tpu.memory_space<vmem>>
    %dma_start3A_176 = arith.constant 0 : i32
    %dma_start3A_177 = arith.constant 0 : i32
    %dma_start3A_178 = tpu.memref_slice %arg2[%dma_start3A_176, %dma_start3A_177] : memref<50000x64xf32, #tpu.memory_space<hbm>> -> memref<50000x64xf32, #tpu.memory_space<hbm>>
    tpu.enqueue_indirect_dma source(%dma_start3A_178 : memref<50000x64xf32, #tpu.memory_space<hbm>>) target(%arg7 : memref<128x64xf32, #tpu.memory_space<vmem>>) offsets(%dma_start3A_175 : memref<128xi32, #tpu.memory_space<vmem>>) semaphore(%arg15 : memref<!tpu.dma_semaphore, #tpu.memory_space<semaphore_mem>>)
    %dma_wait3A_179 = arith.constant 0 : i32
    %dma_wait3A_180 = arith.constant 0 : i32
    %dma_wait3A_181 = tpu.memref_slice %arg2[%dma_wait3A_179, %dma_wait3A_180] : memref<50000x64xf32, #tpu.memory_space<hbm>> -> memref<128x64xf32, #tpu.memory_space<hbm>>
    %dma_wait3A_182 = arith.constant 0 : i32
    %dma_wait3A_183 = arith.constant 0 : i32
    %dma_wait3A_184 = tpu.memref_slice %arg2[%dma_wait3A_182, %dma_wait3A_183] : memref<50000x64xf32, #tpu.memory_space<hbm>> -> memref<128x64xf32, #tpu.memory_space<hbm>>
    tpu.wait_dma2 semaphore(%arg15 : memref<!tpu.dma_semaphore, #tpu.memory_space<semaphore_mem>>) src(%dma_wait3A_184 : memref<128x64xf32, #tpu.memory_space<hbm>>) dst(%arg6 : memref<128x64xf32, #tpu.memory_space<vmem>>)
    %scan3A_185 = arith.constant 0 : i32
    %scan3A_186 = arith.constant 0 : i32
    %scan3A_187 = arith.constant 8 : i32
    %scan3A_188 = arith.addi %scan3A_186, %scan3A_187 : i32
    %scan3A_189 = arith.constant 1 : i32
    scf.for %scan3A_232 = %scan3A_186 to %scan3A_188 step %scan3A_189  : i32 {
      %mul3A_233 = arith.constant 16 : i32
      %mul3A_234 = arith.muli %scan3A_232, %mul3A_233 : i32
      %get3A = arith.constant 0 : i32
      %get3A_235 = arith.index_cast %get3A : i32 to index
      %get3A_236 = arith.index_cast %mul3A_234 : i32 to index
      %get3A_237 = tpu.vector_load %arg10[%get3A_235, %get3A_236] {strides = array<i32>} : memref<4x128xi32, #tpu.memory_space<vmem>>, vector<16xi32>,
      %get3A_238 = arith.constant 2 : i32
      %get3A_239 = arith.index_cast %get3A_238 : i32 to index
      %get3A_240 = arith.index_cast %mul3A_234 : i32 to index
      %get3A_241 = tpu.vector_load %arg10[%get3A_239, %get3A_240] {strides = array<i32>} : memref<4x128xi32, #tpu.memory_space<vmem>>, vector<16xi32>,
      %add3A_242 = arith.constant 15 : i32
      %add3A_243 = vector.broadcast %add3A_242 : i32 to vector<16xi32>
      %add3A_244 = arith.addi %get3A_241, %add3A_243 : vector<16xi32>
      %and3A = arith.constant 15 : i32
      %and3A_245 = vector.broadcast %and3A : i32 to vector<16xi32>
      %and3A_246 = arith.andi %add3A_244, %and3A_245 : vector<16xi32>
      %get3A_247 = arith.constant 3 : i32
      %get3A_248 = arith.index_cast %get3A_247 : i32 to index
      %get3A_249 = arith.index_cast %mul3A_234 : i32 to index
      %get3A_250 = tpu.vector_load %arg10[%get3A_248, %get3A_249] {strides = array<i32>} : memref<4x128xi32, #tpu.memory_space<vmem>>, vector<16xi32>,
      %bitcast3A = vector.bitcast %get3A_250 : vector<16xi32> to vector<16xf32>
      %ge3A = vector.broadcast %mul3A_0 : i32 to vector<16xi32>
      %ge3A_251 = arith.cmpi sge, %get3A_237, %ge3A : vector<16xi32>
      %add3A_252 = arith.constant 25000 : i32
      %add3A_253 = arith.addi %mul3A_0, %add3A_252 : i32
      %lt3A_254 = vector.broadcast %add3A_253 : i32 to vector<16xi32>
      %lt3A_255 = arith.cmpi slt, %get3A_237, %lt3A_254 : vector<16xi32>
      %and3A_256 = arith.andi %ge3A_251, %lt3A_255 : vector<16xi1>
      %sub3A_257 = vector.broadcast %mul3A_0 : i32 to vector<16xi32>
      %sub3A_258 = arith.subi %get3A_237, %sub3A_257 : vector<16xi32>
      %jit3A = arith.constant 25000 : i32
      %broadcast_in_dim3A = vector.broadcast %jit3A : i32 to vector<16xi32>
      %select_n3A = arith.select %and3A_256, %sub3A_258, %broadcast_in_dim3A : vector<16xi1>, vector<16xi32>
      %swap3A = arith.index_cast %mul3A_234 : i32 to index
      %swap3A_259 = tpu.vector_load %arg12[%swap3A] {strides = array<i32>} : memref<128xi32, #tpu.memory_space<vmem>>, vector<16xi32>,
      tpu.vector_store %arg12[%swap3A], %select_n3A {strides = array<i32>} : memref<128xi32, #tpu.memory_space<vmem>>, vector<16xi32>,
      %iota3A = tpu.iota {dimensions = array<i32: 0>} : vector<16xi32>
      %add3A_260 = vector.broadcast %mul3A_234 : i32 to vector<16xi32>
      %add3A_261 = arith.addi %add3A_260, %iota3A : vector<16xi32>
    }
    %scan3A_190 = arith.constant 8 : i32
    %dma_start3A_191 = arith.constant 0 : i32
    %dma_start3A_192 = arith.constant 0 : i32
    %dma_start3A_193 = tpu.memref_slice %arg18[%dma_start3A_191, %dma_start3A_192] : memref<25088x64xf32, #tpu.memory_space<vmem_shared>> -> memref<25088x64xf32, #tpu.memory_space<vmem_shared>>
    tpu.enqueue_indirect_dma source(%arg6 : memref<128x64xf32, #tpu.memory_space<vmem>>) target(%dma_start3A_193 : memref<25088x64xf32, #tpu.memory_space<vmem_shared>>) offsets(%arg12 : memref<128xi32, #tpu.memory_space<vmem>>) semaphore(%arg17 : memref<!tpu.dma_semaphore, #tpu.memory_space<semaphore_mem>>) {add = true}
    %add3A_194 = arith.constant 391 : i32
    %add3A_195 = arith.addi %mul3A_35, %add3A_194 : i32
    %dma_wait3A_196 = arith.constant 0 : i32
    %dma_wait3A_197 = arith.constant 0 : i32
    %dma_wait3A_198 = tpu.memref_slice %arg2[%dma_wait3A_196, %dma_wait3A_197] : memref<50000x64xf32, #tpu.memory_space<hbm>> -> memref<128x64xf32, #tpu.memory_space<hbm>>
    %dma_wait3A_199 = arith.constant 0 : i32
    %dma_wait3A_200 = arith.constant 0 : i32
    %dma_wait3A_201 = tpu.memref_slice %arg2[%dma_wait3A_199, %dma_wait3A_200] : memref<50000x64xf32, #tpu.memory_space<hbm>> -> memref<128x64xf32, #tpu.memory_space<hbm>>
    tpu.wait_dma2 semaphore(%arg15 : memref<!tpu.dma_semaphore, #tpu.memory_space<semaphore_mem>>) src(%dma_wait3A_201 : memref<128x64xf32, #tpu.memory_space<hbm>>) dst(%arg6 : memref<128x64xf32, #tpu.memory_space<vmem>>)
    %scan3A_202 = arith.constant 0 : i32
    %scan3A_203 = arith.constant 0 : i32
    %scan3A_204 = arith.constant 8 : i32
    %scan3A_205 = arith.addi %scan3A_203, %scan3A_204 : i32
    %scan3A_206 = arith.constant 1 : i32
    scf.for %scan3A_232 = %scan3A_203 to %scan3A_205 step %scan3A_206  : i32 {
      %mul3A_233 = arith.constant 16 : i32
      %mul3A_234 = arith.muli %scan3A_232, %mul3A_233 : i32
      %get3A = arith.constant 0 : i32
      %get3A_235 = arith.index_cast %get3A : i32 to index
      %get3A_236 = arith.index_cast %mul3A_234 : i32 to index
      %get3A_237 = tpu.vector_load %arg11[%get3A_235, %get3A_236] {strides = array<i32>} : memref<4x128xi32, #tpu.memory_space<vmem>>, vector<16xi32>,
      %get3A_238 = arith.constant 2 : i32
      %get3A_239 = arith.index_cast %get3A_238 : i32 to index
      %get3A_240 = arith.index_cast %mul3A_234 : i32 to index
      %get3A_241 = tpu.vector_load %arg11[%get3A_239, %get3A_240] {strides = array<i32>} : memref<4x128xi32, #tpu.memory_space<vmem>>, vector<16xi32>,
      %add3A_242 = arith.constant 15 : i32
      %add3A_243 = vector.broadcast %add3A_242 : i32 to vector<16xi32>
      %add3A_244 = arith.addi %get3A_241, %add3A_243 : vector<16xi32>
      %and3A = arith.constant 15 : i32
      %and3A_245 = vector.broadcast %and3A : i32 to vector<16xi32>
      %and3A_246 = arith.andi %add3A_244, %and3A_245 : vector<16xi32>
      %get3A_247 = arith.constant 3 : i32
      %get3A_248 = arith.index_cast %get3A_247 : i32 to index
      %get3A_249 = arith.index_cast %mul3A_234 : i32 to index
      %get3A_250 = tpu.vector_load %arg11[%get3A_248, %get3A_249] {strides = array<i32>} : memref<4x128xi32, #tpu.memory_space<vmem>>, vector<16xi32>,
      %bitcast3A = vector.bitcast %get3A_250 : vector<16xi32> to vector<16xf32>
      %ge3A = vector.broadcast %mul3A_0 : i32 to vector<16xi32>
      %ge3A_251 = arith.cmpi sge, %get3A_237, %ge3A : vector<16xi32>
      %add3A_252 = arith.constant 25000 : i32
      %add3A_253 = arith.addi %mul3A_0, %add3A_252 : i32
      %lt3A_254 = vector.broadcast %add3A_253 : i32 to vector<16xi32>
      %lt3A_255 = arith.cmpi slt, %get3A_237, %lt3A_254 : vector<16xi32>
      %and3A_256 = arith.andi %ge3A_251, %lt3A_255 : vector<16xi1>
      %sub3A_257 = vector.broadcast %mul3A_0 : i32 to vector<16xi32>
      %sub3A_258 = arith.subi %get3A_237, %sub3A_257 : vector<16xi32>
      %jit3A = arith.constant 25000 : i32
      %broadcast_in_dim3A = vector.broadcast %jit3A : i32 to vector<16xi32>
      %select_n3A = arith.select %and3A_256, %sub3A_258, %broadcast_in_dim3A : vector<16xi1>, vector<16xi32>
      %swap3A = arith.index_cast %mul3A_234 : i32 to index
      %swap3A_259 = tpu.vector_load %arg13[%swap3A] {strides = array<i32>} : memref<128xi32, #tpu.memory_space<vmem>>, vector<16xi32>,
      tpu.vector_store %arg13[%swap3A], %select_n3A {strides = array<i32>} : memref<128xi32, #tpu.memory_space<vmem>>, vector<16xi32>,
      %iota3A = tpu.iota {dimensions = array<i32: 0>} : vector<16xi32>
      %add3A_260 = vector.broadcast %mul3A_234 : i32 to vector<16xi32>
      %add3A_261 = arith.addi %add3A_260, %iota3A : vector<16xi32>
    }
    %scan3A_207 = arith.constant 8 : i32
    %dma_start3A_208 = arith.constant 0 : i32
    %dma_start3A_209 = arith.constant 0 : i32
    %dma_start3A_210 = tpu.memref_slice %arg18[%dma_start3A_208, %dma_start3A_209] : memref<25088x64xf32, #tpu.memory_space<vmem_shared>> -> memref<25088x64xf32, #tpu.memory_space<vmem_shared>>
    tpu.enqueue_indirect_dma source(%arg7 : memref<128x64xf32, #tpu.memory_space<vmem>>) target(%dma_start3A_210 : memref<25088x64xf32, #tpu.memory_space<vmem_shared>>) offsets(%arg13 : memref<128xi32, #tpu.memory_space<vmem>>) semaphore(%arg17 : memref<!tpu.dma_semaphore, #tpu.memory_space<semaphore_mem>>) {add = true}
    %dma_wait3A_211 = arith.constant 0 : i32
    %dma_wait3A_212 = arith.constant 0 : i32
    %dma_wait3A_213 = tpu.memref_slice %arg2[%dma_wait3A_211, %dma_wait3A_212] : memref<50000x64xf32, #tpu.memory_space<hbm>> -> memref<128x64xf32, #tpu.memory_space<hbm>>
    %dma_wait3A_214 = arith.constant 0 : i32
    %dma_wait3A_215 = arith.constant 0 : i32
    %dma_wait3A_216 = tpu.memref_slice %arg2[%dma_wait3A_214, %dma_wait3A_215] : memref<50000x64xf32, #tpu.memory_space<hbm>> -> memref<128x64xf32, #tpu.memory_space<hbm>>
    tpu.wait_dma2 semaphore(%arg17 : memref<!tpu.dma_semaphore, #tpu.memory_space<semaphore_mem>>) src(%dma_wait3A_216 : memref<128x64xf32, #tpu.memory_space<hbm>>) dst(%arg6 : memref<128x64xf32, #tpu.memory_space<vmem>>)
    %dma_wait3A_217 = arith.constant 0 : i32
    %dma_wait3A_218 = arith.constant 0 : i32
    %dma_wait3A_219 = tpu.memref_slice %arg2[%dma_wait3A_217, %dma_wait3A_218] : memref<50000x64xf32, #tpu.memory_space<hbm>> -> memref<128x64xf32, #tpu.memory_space<hbm>>
    %dma_wait3A_220 = arith.constant 0 : i32
    %dma_wait3A_221 = arith.constant 0 : i32
    %dma_wait3A_222 = tpu.memref_slice %arg2[%dma_wait3A_220, %dma_wait3A_221] : memref<50000x64xf32, #tpu.memory_space<hbm>> -> memref<128x64xf32, #tpu.memory_space<hbm>>
    tpu.wait_dma2 semaphore(%arg17 : memref<!tpu.dma_semaphore, #tpu.memory_space<semaphore_mem>>) src(%dma_wait3A_222 : memref<128x64xf32, #tpu.memory_space<hbm>>) dst(%arg6 : memref<128x64xf32, #tpu.memory_space<vmem>>)
    %barrier3A_223 = arith.constant 0 : index
    tpu.barrier barrier_id(%barrier3A_223)
    %mul3A_224 = arith.constant 1568 : i32
    %mul3A_225 = arith.muli %arg1, %mul3A_224 : i32
    %lt3A = arith.constant 15 : i32
    %lt3A_226 = arith.cmpi slt, %arg1, %lt3A : i32
    %convert_element_type3A = arith.extui %lt3A_226 : i1 to i32
    %cond3A = arith.constant 0 : i32
    %cond3A_227 = arith.cmpi ne, %convert_element_type3A, %cond3A : i32
    scf.if %cond3A_227 {
      %add3A_232 = arith.addi %mul3A_0, %mul3A_225 : i32
      "tpu.region"() ({
        %run_scoped3A = tpu.sem_alloc : memref<!tpu.dma_semaphore, #tpu.memory_space<semaphore_mem>>
        %dma_start3A_233 = arith.constant 0 : i32
        %dma_start3A_234 = tpu.memref_slice %arg5[%add3A_232, %dma_start3A_233] : memref<50000x64xf32, #tpu.memory_space<hbm>> -> memref<1568x64xf32, #tpu.memory_space<hbm>>
        %dma_start3A_235 = arith.constant 0 : i32
        %dma_start3A_236 = tpu.memref_slice %arg18[%mul3A_225, %dma_start3A_235] : memref<25088x64xf32, #tpu.memory_space<vmem_shared>> -> memref<1568x64xf32, #tpu.memory_space<vmem_shared>>
        tpu.enqueue_dma source(%dma_start3A_236 : memref<1568x64xf32, #tpu.memory_space<vmem_shared>>) target(%dma_start3A_234 : memref<1568x64xf32, #tpu.memory_space<hbm>>) target_semaphore(%run_scoped3A : memref<!tpu.dma_semaphore, #tpu.memory_space<semaphore_mem>>)
        %dma_wait3A_237 = arith.constant 0 : i32
        %dma_wait3A_238 = tpu.memref_slice %arg5[%add3A_232, %dma_wait3A_237] : memref<50000x64xf32, #tpu.memory_space<hbm>> -> memref<1568x64xf32, #tpu.memory_space<hbm>>
        %dma_wait3A_239 = arith.constant 0 : i32
        %dma_wait3A_240 = tpu.memref_slice %arg18[%mul3A_225, %dma_wait3A_239] : memref<25088x64xf32, #tpu.memory_space<vmem_shared>> -> memref<1568x64xf32, #tpu.memory_space<vmem_shared>>
        tpu.wait_dma2 semaphore(%run_scoped3A : memref<!tpu.dma_semaphore, #tpu.memory_space<semaphore_mem>>) src(%dma_wait3A_240 : memref<1568x64xf32, #tpu.memory_space<vmem_shared>>) dst(%dma_wait3A_238 : memref<1568x64xf32, #tpu.memory_space<hbm>>)
        tpu.yield
      }) : () -> ()
    } else {
    }
    %eq3A = arith.constant 15 : i32
    %eq3A_228 = arith.cmpi eq, %arg1, %eq3A : i32
    %convert_element_type3A_229 = arith.extui %eq3A_228 : i1 to i32
    %cond3A_230 = arith.constant 0 : i32
    %cond3A_231 = arith.cmpi ne, %convert_element_type3A_229, %cond3A_230 : i32
    scf.if %cond3A_231 {
      %add3A_232 = arith.addi %mul3A_0, %mul3A_225 : i32
      "tpu.region"() ({
        %run_scoped3A = tpu.sem_alloc : memref<!tpu.dma_semaphore, #tpu.memory_space<semaphore_mem>>
        %dma_start3A_233 = arith.constant 0 : i32
        %dma_start3A_234 = tpu.memref_slice %arg5[%add3A_232, %dma_start3A_233] : memref<50000x64xf32, #tpu.memory_space<hbm>> -> memref<1480x64xf32, #tpu.memory_space<hbm>>
        %dma_start3A_235 = arith.constant 0 : i32
        %dma_start3A_236 = tpu.memref_slice %arg18[%mul3A_225, %dma_start3A_235] : memref<25088x64xf32, #tpu.memory_space<vmem_shared>> -> memref<1480x64xf32, #tpu.memory_space<vmem_shared>>
        tpu.enqueue_dma source(%dma_start3A_236 : memref<1480x64xf32, #tpu.memory_space<vmem_shared>>) target(%dma_start3A_234 : memref<1480x64xf32, #tpu.memory_space<hbm>>) target_semaphore(%run_scoped3A : memref<!tpu.dma_semaphore, #tpu.memory_space<semaphore_mem>>)
        %dma_wait3A_237 = arith.constant 0 : i32
        %dma_wait3A_238 = tpu.memref_slice %arg5[%add3A_232, %dma_wait3A_237] : memref<50000x64xf32, #tpu.memory_space<hbm>> -> memref<1480x64xf32, #tpu.memory_space<hbm>>
        %dma_wait3A_239 = arith.constant 0 : i32
        %dma_wait3A_240 = tpu.memref_slice %arg18[%mul3A_225, %dma_wait3A_239] : memref<25088x64xf32, #tpu.memory_space<vmem_shared>> -> memref<1480x64xf32, #tpu.memory_space<vmem_shared>>
        tpu.wait_dma2 semaphore(%run_scoped3A : memref<!tpu.dma_semaphore, #tpu.memory_space<semaphore_mem>>) src(%dma_wait3A_240 : memref<1480x64xf32, #tpu.memory_space<vmem_shared>>) dst(%dma_wait3A_238 : memref<1480x64xf32, #tpu.memory_space<hbm>>)
        tpu.yield
      }) : () -> ()
    } else {
    }
    return
  }
}

module attributes {stable_mosaic.version = 14 : i64} {
  func.func @_mm_body(%arg0: i32, %arg1: memref<1024x2048xf32, #tpu.memory_space<vmem>>, %arg2: memref<2048x64xf32, #tpu.memory_space<vmem>>, %arg3: memref<1024x848xf32, #tpu.memory_space<vmem>>, %arg4: memref<848x64xf32, #tpu.memory_space<vmem>>, %arg5: memref<1024x64xf32, #tpu.memory_space<vmem>>) attributes {dimension_semantics = [#tpu.dimension_semantics<arbitrary>], iteration_bounds = array<i64: 24>, scalar_prefetch = 0 : i64, scratch_operands = 0 : i64, tpu.core_type = #tpu.core_type<tc>, window_params = [{transform_indices = @transform_0, window_bounds = array<i64: 1024, 2048>}, {transform_indices = @transform_1, window_bounds = array<i64: 2048, 64>}, {pipeline_mode = #tpu.pipeline_mode<synchronous>, transform_indices = @transform_2, window_bounds = array<i64: 1024, 848>}, {pipeline_mode = #tpu.pipeline_mode<synchronous>, transform_indices = @transform_3, window_bounds = array<i64: 848, 64>}, {pipeline_mode = #tpu.pipeline_mode<synchronous>, transform_indices = @transform_4, window_bounds = array<i64: 1024, 64>}]} {
    %eq3A = arith.constant 0 : i32
    %eq3A_0 = arith.cmpi eq, %arg0, %eq3A : i32
    %convert_element_type3A = arith.extui %eq3A_0 : i1 to i32
    %cond3A = arith.constant 0 : i32
    %cond3A_1 = arith.cmpi ne, %convert_element_type3A, %cond3A : i32
    scf.if %cond3A_1 {
      %get3A_13 = arith.constant 0 : index
      %get3A_14 = arith.constant 0 : index
      %get3A_15 = vector.load %arg3[%get3A_13, %get3A_14] : memref<1024x848xf32, #tpu.memory_space<vmem>>, vector<1024x848xf32>
      %get3A_16 = arith.constant 0 : index
      %get3A_17 = arith.constant 0 : index
      %get3A_18 = vector.load %arg4[%get3A_16, %get3A_17] : memref<848x64xf32, #tpu.memory_space<vmem>>, vector<848x64xf32>
      %dot_general3A_19 = arith.constant dense<0.000000e+00> : vector<1024x64xf32>
      %dot_general3A_20 = tpu.matmul %get3A_15, %get3A_18, %dot_general3A_19 {dimension_numbers = #tpu.dot_dimension_numbers<[1], [0], [0], [1], [0, 0, 1, 1], [], []>, transpose_lhs_hint = false} : vector<1024x848xf32>, vector<848x64xf32>, vector<1024x64xf32> -> vector<1024x64xf32>
      %swap3A_21 = arith.constant 0 : index
      %swap3A_22 = arith.constant 0 : index
      %swap3A_23 = vector.load %arg5[%swap3A_21, %swap3A_22] : memref<1024x64xf32, #tpu.memory_space<vmem>>, vector<1024x64xf32>
      tpu.vector_store %arg5[%swap3A_21, %swap3A_22], %dot_general3A_20 {strides = array<i32>} : memref<1024x64xf32, #tpu.memory_space<vmem>>, vector<1024x64xf32>,
    } else {
    }
    %get3A = arith.constant 0 : index
    %get3A_2 = arith.constant 0 : index
    %get3A_3 = vector.load %arg5[%get3A, %get3A_2] : memref<1024x64xf32, #tpu.memory_space<vmem>>, vector<1024x64xf32>
    %get3A_4 = arith.constant 0 : index
    %get3A_5 = arith.constant 0 : index
    %get3A_6 = vector.load %arg1[%get3A_4, %get3A_5] : memref<1024x2048xf32, #tpu.memory_space<vmem>>, vector<1024x2048xf32>
    %get3A_7 = arith.constant 0 : index
    %get3A_8 = arith.constant 0 : index
    %get3A_9 = vector.load %arg2[%get3A_7, %get3A_8] : memref<2048x64xf32, #tpu.memory_space<vmem>>, vector<2048x64xf32>
    %dot_general3A = arith.constant dense<0.000000e+00> : vector<1024x64xf32>
    %dot_general3A_10 = tpu.matmul %get3A_6, %get3A_9, %dot_general3A {dimension_numbers = #tpu.dot_dimension_numbers<[1], [0], [0], [1], [0, 0, 1, 1], [], []>, transpose_lhs_hint = false} : vector<1024x2048xf32>, vector<2048x64xf32>, vector<1024x64xf32> -> vector<1024x64xf32>
    %add3A = arith.addf %get3A_3, %dot_general3A_10 : vector<1024x64xf32>
    %swap3A = arith.constant 0 : index
    %swap3A_11 = arith.constant 0 : index
    %swap3A_12 = vector.load %arg5[%swap3A, %swap3A_11] : memref<1024x64xf32, #tpu.memory_space<vmem>>, vector<1024x64xf32>
    tpu.vector_store %arg5[%swap3A, %swap3A_11], %add3A {strides = array<i32>} : memref<1024x64xf32, #tpu.memory_space<vmem>>, vector<1024x64xf32>,
    return
  }
  func.func @transform_0(%arg0: i32) -> (i32, i32) {
    %c0_i32 = arith.constant 0 : i32
    %c0_i32_0 = arith.constant 0 : i32
    return %c0_i32, %arg0 : i32, i32
  }
  func.func @transform_1(%arg0: i32) -> (i32, i32) {
    %c0_i32 = arith.constant 0 : i32
    %c0_i32_0 = arith.constant 0 : i32
    return %arg0, %c0_i32 : i32, i32
  }
  func.func @transform_2(%arg0: i32) -> (i32, i32) {
    %c0_i32 = arith.constant 0 : i32
    %c0_i32_0 = arith.constant 0 : i32
    %c0_i32_1 = arith.constant 0 : i32
    return %c0_i32, %c0_i32_0 : i32, i32
  }
  func.func @transform_3(%arg0: i32) -> (i32, i32) {
    %c0_i32 = arith.constant 0 : i32
    %c0_i32_0 = arith.constant 0 : i32
    %c0_i32_1 = arith.constant 0 : i32
    return %c0_i32, %c0_i32_0 : i32, i32
  }
  func.func @transform_4(%arg0: i32) -> (i32, i32) {
    %c0_i32 = arith.constant 0 : i32
    %c0_i32_0 = arith.constant 0 : i32
    %c0_i32_1 = arith.constant 0 : i32
    return %c0_i32, %c0_i32_0 : i32, i32
  }
}

</mosaic_0001>

<sc_bundles>
// kernel: kernel.4.cloned.1.call-start
scs
__scs_entry_jumppad:
0x0: {  	(pc) =	sbr.rel $0x88, $3  }
0x1: {  	(tag) =	ssettag $0x0;
	lr =	simm.s32 $0x1  }
0x2: {  	[smem:$0x3F9B] =	sst lr;
	_ =	strace $0xD0000000  }
0x3: {  	_ = 	snop  }
0x4: {  	_ = 	snop  }
0x5: {  	_ = 	snop  }
0x6: {  	_ = 	snop  }
0x7: {  	_ = 	snop  }
__scs_overlays_trampoline_lowered:
0x8: {  	[smem:$0x3FAA] =	sst s0  }
0x9: {  	[smem:$0x3FAB] =	sst s1  }
0xa: {  	[smem:$0x3FAC] =	sst s2  }
0xb: {  	[smem:$0x3FAD] =	sst s3  }
0xc: {  	[smem:$0x3FAE] =	sst s4  }
0xd: {  	[smem:$0x3FAF] =	sst s5  }
0xe: {  	[smem:$0x3FB0] =	sst s6  }
0xf: {  	[smem:$0x3FB1] =	sst s7  }
0x10: {  	[smem:$0x3FB2] =	sst s8  }
0x11: {  	[smem:$0x3FB3] =	sst s9;
	s0 =	simm.s32 @!p0 $0x0  }
0x12: {  	s1 =	sld [smem:$0x3F99];
	s0 =	simm.s32 @p0 $0x1  }
0x13: {  	[smem:$0x3FB4] =	sst s0;
	s0 =	simm.s32 @!p1 $0x0  }
0x14: {  	s2 =	sld [smem:$0x3F98];
	s0 =	simm.s32 @p1 $0x1  }
0x15: {  	[smem:$0x3FB5] =	sst s0;
	s0 =	simm.s32 @!p2 $0x0  }
0x16: {  	s3 =	sld [smem:$0x3FDB];
	s0 =	simm.s32 @p2 $0x1  }
0x17: {  	s4 =	simm.s32 $0x1BF5;
	[smem:$0x3FB7] =	sst s0  }
0x18: {  	s0 =	sld [smem:$0x3F9A];
	_ =	swait.ge [sflag:s4], $0x0  }
0x19: {  	s7 =	sld [smem:$0x3F9B]  }
0x1a: {  	s8 =	sadd.s32 $0xFFFFE003, lr  }
0x1b: {  	s9 =	sadd.s32 $0xFFFFFEF7, lr;
	s5 =	simm.s32 $0xFFFFFFFF;
	p2 =	slt.u32 s8, $0xFFFFF086  }
0x1c: {  	p1 =	slt.u32 s9, $0xF7A;
	s5 =	simm.s32 @!p2 $0x0  }
0x1d: {  	s5 =	simm.s32 @p1 $0x1;
	p0 =	seq.s32 s7, s2  }
0x1e: {  	s7 =	smul.u32 @!p0 $0xF7A, s2;
	p2 =	seq.s32 @!p0 s5, $0x0  }
0x1f: {  	s9 =	smul.u32 $0xF7A, s1;
	s8 =	simm.s32 @!p0 $0x1BF5;
	p2 =	por !p2, p0  }
0x20: {  	[sflag:s8] =	ssyncset.s32 @!p0 $0xFFFFF086;
	s6 =	sadd.s32 @!p0 s3, s7;
	s7 =	simm.s32 @!p0 $0x108  }
0x21: {  	s3 =	sadd.s32 s3, s9;
	s6 =	sadd.s32 @!p0 $0x88, s6;
	s7 =	simm.s32 @p2 $0x1082  }
0x22: {  	[simem:s7], [sflag:s8] =	dma.local @!p0 [hbm:s6], $0xF7A  }
0x23: {  	s9 =	sor.u32 $0xD0000000, s2;
	s6 =	simm.s32 $0x108;
	_ =	swait.ge @!p0 [sflag:s8], $0x0  }
0x24: {  	s3 =	sadd.s32 $0x88, s3;
	s6 =	simm.s32 @!p1 $0x1082;
	[sflag:s4] =	ssyncset.s32 $0xFFFFF086  }
0x25: {  	[simem:s6], [sflag:s4] =	dma.local [hbm:s3], $0xF7A  }
0x26: {  	[smem:$0x3F9B] =	sst s1;
	(tag) =	ssettag s2;
	_ =	strace s9  }
0x27: {  	s1 =	sld [smem:$0x3FAB]  }
0x28: {  	s2 =	sld [smem:$0x3FAC]  }
0x29: {  	s4 =	sld [smem:$0x3FAE]  }
0x2a: {  	p0 =	seq.s32 s5, $0x0;
	s5 =	sld [smem:$0x3FAF]  }
0x2b: {  	s6 =	sld [smem:$0x3FB0]  }
0x2c: {  	s7 =	sld [smem:$0x3FB1]  }
0x2d: {  	s3 =	simm.s32 $0x108;
	s8 =	sld [smem:$0x3FB2]  }
0x2e: {  	s3 =	simm.s32 @!p0 $0x1082;
	s9 =	sld [smem:$0x3FB3]  }
0x2f: {  	lr =	sadd.s32 s0, s3;
	s0 =	sld [smem:$0x3FAA]  }
0x30: {  	s3 =	sld [smem:$0x3FAD]  }
0x31: {  	[smem:$0x3FB6] =	sst s10  }
0x32: {  	s10 =	sld [smem:$0x3FB4];
	_ =	sdelay $0x3  }
0x33: {  	p0 =	seq.s32 s10, $0x1;
	s10 =	sld [smem:$0x3FB6];
	_ =	sdelay $0x3  }
0x34: {  	[smem:$0x3FB6] =	sst s10  }
0x35: {  	s10 =	sld [smem:$0x3FB5];
	_ =	sdelay $0x3  }
0x36: {  	p1 =	seq.s32 s10, $0x1;
	s10 =	sld [smem:$0x3FB6];
	_ =	sdelay $0x3  }
0x37: {  	[smem:$0x3FB6] =	sst s10  }
0x38: {  	s10 =	sld [smem:$0x3FB7]  }
0x39: {  	_ = 	snop;
	(pc) =	sbr.ind lr, $3  }
0x3a: {  	_ = 	snop  }
0x3b: {  	_ = 	snop  }
0x3c: {  	p2 =	seq.s32 s10, $0x1;
	s10 =	sld [smem:$0x3FB6]  }
0x3d: {  	_ =	shalt  }
0x3e: {  	_ =	shalt  }
0x3f: {  	_ =	shalt  }
0x40: {  	_ =	shalt  }
0x41: {  	_ =	shalt  }
0x42: {  	_ =	shalt  }
0x43: {  	_ =	shalt  }
0x44: {  	_ =	shalt  }
0x45: {  	_ =	shalt  }
0x46: {  	_ =	shalt  }
0x47: {  	_ =	shalt  }
0x48: {  	_ =	shalt  }
0x49: {  	_ =	shalt  }
0x4a: {  	_ =	shalt  }
0x4b: {  	_ =	shalt  }
0x4c: {  	_ =	shalt  }
0x4d: {  	_ =	shalt  }
0x4e: {  	_ =	shalt  }
0x4f: {  	_ =	shalt  }
0x50: {  	_ =	shalt  }
0x51: {  	_ =	shalt  }
0x52: {  	_ =	shalt  }
0x53: {  	_ =	shalt  }
0x54: {  	_ =	shalt  }
0x55: {  	_ =	shalt  }
0x56: {  	_ =	shalt  }
0x57: {  	_ =	shalt  }
0x58: {  	_ =	shalt  }
0x59: {  	_ =	shalt  }
0x5a: {  	_ =	shalt  }
0x5b: {  	_ =	shalt  }
0x5c: {  	_ =	shalt  }
0x5d: {  	_ =	shalt  }
0x5e: {  	_ =	shalt  }
0x5f: {  	_ =	shalt  }
0x60: {  	_ =	shalt  }
0x61: {  	_ =	shalt  }
0x62: {  	_ =	shalt  }
0x63: {  	_ =	shalt  }
0x64: {  	_ =	shalt  }
0x65: {  	_ =	shalt  }
0x66: {  	_ =	shalt  }
0x67: {  	_ =	shalt  }
0x68: {  	_ =	shalt  }
0x69: {  	_ =	shalt  }
0x6a: {  	_ =	shalt  }
0x6b: {  	_ =	shalt  }
0x6c: {  	_ =	shalt  }
0x6d: {  	_ =	shalt  }
0x6e: {  	_ =	shalt  }
0x6f: {  	_ =	shalt  }
0x70: {  	_ =	shalt  }
0x71: {  	_ =	shalt  }
0x72: {  	_ =	shalt  }
0x73: {  	_ =	shalt  }
0x74: {  	_ =	shalt  }
0x75: {  	_ =	shalt  }
0x76: {  	_ =	shalt  }
0x77: {  	_ =	shalt  }
0x78: {  	_ =	shalt  }
0x79: {  	_ =	shalt  }
0x7a: {  	_ =	shalt  }
0x7b: {  	_ =	shalt  }
0x7c: {  	_ =	shalt  }
0x7d: {  	_ =	shalt  }
0x7e: {  	_ =	shalt  }
0x7f: {  	_ =	shalt  }
0x80: {  	_ =	shalt  }
0x81: {  	_ =	shalt  }
0x82: {  	_ =	shalt  }
0x83: {  	_ =	shalt  }
0x84: {  	_ =	shalt  }
0x85: {  	_ =	shalt  }
0x86: {  	_ =	shalt  }
0x87: {  	_ =	shalt  }
.Lfunc_end0:
.L_simem_size_0:
called_computation_lowered:
.L_overlay_start_0:
0x88: {  	s2 =	sld [smem:$0x3FD9]  }
0x89: {  	s3 =	sld [smem:$0x3FFE];
	_ =	sdelay $0x1  }
0x8a: {  	s1 =	srdreg.scid  }
0x8b: {  	s0 =	sand.u32 $0x1, s1  }
0x8c: {  	s14 =	sshll.u32 s0, $0xA;
	s2 =	sadd.s32 s3, s2  }
0x8d: {  	s2 =	sadd.s32 s2, s14  }
0x8e: {  	[smem:$0x3FC2] =	sst s2  }
0x8f: {  	_ = 	snop  }
0x90: {  	s2 =	sld [smem:$0x3FD0];
	_ =	sdelay $0x2  }
0x91: {  	s15 =	simm.s32 $0xA;
	s4 =	simm.s32 $0x10  }
0x92: {  	[smem:s4], [sflag:s15] =	dma.local [hbm:s2], $0x1  }
0x93: {  	_ =	swait.eq [sflag:s15], $0x1  }
0x94: {  	[sflag:s15] =	ssyncset.done $0x0  }
0x95: {  	[sflag:s15] =	ssyncadd.s32 $0xFFFFFFFF  }
0x96: {  	s16 =	sld [smem:$0x10];
	(tm) =	ssettm $0x1  }
0x97: {  	s17 =	sld [smem:$0x3FFB];
	_ =	sdelay $0x3  }
0x98: {  	_ =	strace s17  }
0x99: {  	s3 =	sld [smem:$0x3FFC];
	_ =	sdelay $0x3  }
0x9a: {  	_ =	strace s3  }
0x9b: {  	s3 =	sld [smem:$0x3FFD];
	_ =	sdelay $0x3  }
0x9c: {  	_ =	strace s3  }
0x9d: {  	_ =	strace $0x8FFFFFFF  }
0x9e: {  	s18 =	sld [smem:$0x3FDB];
	_ =	sdelay $0x1  }
0x9f: {  	s19 =	simm.s32 $_scs_section_size  }
0xa0: {  	s5 =	simm.s32 $_size__tile_overlayer_lowered;
	s6 =	simm.s32 $_tile_overlayer_lowered  }
0xa1: {  	s22 =	simm.s32 $0x1BFF;
	s21 =	sshll.u32 s6, $0x1;
	s3 =	sadd.s32 s19, s18  }
0xa2: {  	s7 =	simm.s32 $0x0;
	s20 =	sshll.u32 s5, $0x1;
	s5 =	sadd.s32 s21, s3  }
0xa3: {  	[timem:s7], [sflag:s22] =	dma.local [hbm:s5], s20  }
0xa4: {  	_ =	swait.ge [sflag:s22], s20  }
0xa5: {  	s4 =	ssub.s32 $0x0, s20;
	[sflag:s22] =	ssyncset.done $0x0  }
0xa6: {  	[sflag:s22] =	ssyncadd.s32 s4;
	_ =	sdelay $0x1  }
0xa7: {  	s23 =	simm.s32 $0x1B8B  }
0xa8: {  	_ =	swait.ge [sflag:s23], $0x1  }
0xa9: {  	[sflag:s23] =	ssyncset.done $0x0  }
0xaa: {  	s25 =	simm.s32 $0x1B8E;
	s24 =	sld [smem:$0x3FFE];
	[sflag:s23] =	ssyncadd.s32 $0xFFFFFFFF  }
0xab: {  	s26 =	simm.s32 $execute0_lowered;
	[smem:$0x3FD2] =	sst s25  }
0xac: {  	s5 =	sshll.u32 s26, $0x1;
	_ =	strace $0x80000046;
	[dreg:$0x1] =	wrdreg $0xFFFFFFFF  }
0xad: {  	s28 =	simm.s32 $_size_execute0_lowered;
	s3 =	sadd.s32 s3, s5;
	[dreg:$0x0] =	wrdreg $0x0  }
0xae: {  	s5 =	sshll.u32 s28, $0x1;
	[dreg:$0x2] =	wrdreg s3  }
0xaf: {  	[dreg:$0x3] =	wrdreg s5  }
0xb0: {  	[dreg:$0x4] =	wrdreg $0xC0  }
0xb1: {  	_ =	task [dreg:s7], $0x5FFFF  }
0xb2: {  	[dreg:$0x1] =	wrdreg $0xFFFFFFFF  }
0xb3: {  	[dreg:$0x0] =	wrdreg $0x60  }
0xb4: {  	[dreg:$0x2] =	wrdreg s16  }
0xb5: {  	[dreg:$0x3] =	wrdreg s24  }
0xb6: {  	[dreg:$0x4] =	wrdreg $0x4D000  }
0xb7: {  	[dreg:$0x5] =	wrdreg $0x9  }
0xb8: {  	_ =	task.clear_ibuf [dreg:s7], $0x6FFFF;
	_ =	strace $0x90000046  }
0xb9: {  	s29 =	simm.s32 $0x9;
	_ =	strace $0x80000048  }
0xba: {  	_ =	swait.ge [sflag:s29], $0x1  }
0xbb: {  	[sflag:s29] =	ssyncadd.s32 $0xFFFFFFFF  }
0xbc: {  	_ =	strace $0x90000048  }
0xbd: {  	_ =	sfence  }
0xbe: {  	s30 =	sld [smem:$0x0];
	_ =	sdelay $0x2  }
0xbf: {  	s31 =	sshll.u32 s1, $0xD;
	s1 =	sshrl.u32 s1, $0x2  }
0xc0: {  	s3 =	sand.u32 $0x4000, s31;
	s1 =	sadd.s32 s1, s30  }
0xc1: {  	s0 =	sor.u32 s3, s0;
	s1 =	sshll.u32 s1, $0x11  }
0xc2: {  	s0 =	sor.u32 s1, s0  }
0xc3: {  	s0 =	sadd.s32 $0x8F2B, s0  }
0xc4: {  	[sflag:s0] =	ssyncadd.remote.s32 $0x1  }
0xc5: {  	_ =	sfence.sel $0xFFFF  }
0xc6: {  	[dreg:$0x0] =	wrdreg $0xFFFFFFFF;
	(pc) =	sbr.abs _section_cstart, $3  }
0xc7: {  	[dreg:$0x1] =	wrdreg $0xFFFFFFFF  }
0xc8: {  	_ =	task.clear_ibuf [dreg:s7], $0x2FFFF;
	_ =	strace $0x9FFFFFFF  }
0xc9: {  	(tm) =	ssettm $0x7FFFFFFF  }
tec
execute0_lowered:
.L_overlay_start_1:
0x0: {  	(tag) =	ssettag $0x1  }
0x1: {  	s1 =	rddreg [dreg:$0x0]  }
0x2: {  	s0 =	rddreg [dreg:$0x1]  }
0x3: {  	s2 =	rddreg [dreg:$0x2];
	s4 =	simm.s32 $0x0;
	s3 =	srdreg.scid  }
0x4: {  	s11 =	stileid.u32;
	s28 =	simm.s32 $0x4;
	s29 =	simm.s32 $0x4000  }
0x5: {  	s30 =	simm.s32 $0x80;
	s31 =	simm.s32 $0x4080;
	s6 =	smul.u32 $0x62000, s11  }
0x6: {  	[smem:$0x7FF] =	sst s4;
	s5 =	sadd.s32 $0xF4E00, s0;
	s15 =	smul.u32 $0x620, s11  }
0x7: {  	s3 =	sand.u32 $0x1, s3;
	s7 =	sadd.s32 $0xF4C00, s0;
	s23 =	smul.u32 $0x31000, s11  }
0x8: {  	s0 =	sadd.s32 $0x156E00, s0;
	s25 =	smul.u32 $0x6200, s11;
	p0 =	seq.s32 s11, $0xF  }
0x9: {  	s11 =	simm.s32 $0x3;
	_ =	strace $0x80000047;
	s6 =	sshrl.u32 s6, $0x2  }
0xa: {  	[dreg:$0x4] =	wrdreg s7;
	s13 =	smul.u32 $0x61A8, s3;
	s6 =	sadd.s32 s6, s2  }
0xb: {  	s14 =	ssub.s32 $0x2, s3;
	s3 =	smul.u32 $0x186A00, s3;
	s9 =	sadd.s32 $0x2000, s6  }
0xc: {  	s8 =	sshrl.u32 s14, $0x1;
	s16 =	sadd.s32 $0x4000, s6;
	[dreg:$0x5] =	wrdreg s9  }
0xd: {  	s7 =	ssub.s32 s14, s8;
	s17 =	sadd.s32 $0x6000, s6;
	[dreg:$0x6] =	wrdreg s16  }
0xe: {  	s8 =	sadd.s32 s15, s13;
	s18 =	sadd.s32 $0x8000, s6;
	[dreg:$0x7] =	wrdreg s17  }
0xf: {  	s3 =	sshrl.u32 s3, $0x3;
	s19 =	sadd.s32 $0xA000, s6;
	[dreg:$0x8] =	wrdreg s18  }
0x10: {  	s14 =	sadd.s32 $0x61A8, s13;
	s20 =	sadd.s32 $0xC000, s6;
	[dreg:$0x9] =	wrdreg s19  }
0x11: {  	v0 =	vmov s13;
	s13 =	simm.s32 $0x4880;
	s21 =	sadd.s32 $0xE000, s6;
	[dreg:$0xa] =	wrdreg s20  }
0x12: {  	s15 =	simm.s32 $0x0;
	s22 =	sadd.s32 $0x10000, s6;
	[dreg:$0xb] =	wrdreg s21  }
0x13: {  	s10 =	sadd.s32 $0x12000, s6;
	s24 =	sadd.s32 $0x14000, s6;
	[dreg:$0xc] =	wrdreg s22  }
0x14: {  	s12 =	sadd.s32 $0x16000, s6;
	s26 =	sadd.s32 $0x18000, s6;
	[dreg:$0xd] =	wrdreg s10  }
0x15: {  	s8 =	sshll.u32 s8, $0x3;
	v1 =	vmov s14;
	s14 =	simm.s32 $0x4680;
	[dreg:$0xe] =	wrdreg s24  }
0x16: {  	[dreg:$0xf] =	wrdreg s12;
	s9 =	sshrl.u32 s23, $0x3;
	s18 =	sadd.s32 s5, s25  }
0x17: {  	[dreg:$0x10] =	wrdreg s26;
	s20 =	sadd.s32 s0, s8;
	s0 =	sadd.s32 s0, s3  }
0x18: {  	s24 =	smax.u32 s7, $0x1;
	s26 =	simm.s32 $0x4400;
	s3 =	simm.s32 $0x4600  }
0x19: {  	s7 =	simm.s32 $0x4280;
	s8 =	simm.s32 $0x2000;
	s10 =	simm.s32 $0x4800  }
0x1a: {  	s12 =	simm.s32 $0x4480;
	s5 =	sadd.s32 s5, s9;
	s21 =	sadd.s32 $0x40, s18  }
0x1b: {  	s23 =	sadd.s32 $0x2DF00, s0;
	s25 =	sadd.s32 $0x80, s18;
	s0 =	simm.s32 $0x4200  }
0x1c: {  	v2 =	vimm.f32 $0.0e+00;
	s9 =	simm.s32 $0x1;
	s22 =	sadd.s32 $0x61C0, s5;
	s5 =	simm.s32 $0x2  }
.LBB2_1:
0x1d: {  	s16 =	rddreg [dreg:$0x4];
	s17 =	simm.s32 $0x4900  }
0x1e: {  	[tilespmem:s17], [sflag:$0x4] =	stream.linear.gather [hbm4b:s16+s4], $0x400, $0x38;
	[tilespmem:$0x1D500] =	vst v63  }
0x1f: {  	_ =	swait.ge [sflag:s28], $0x400  }
0x20: {  	[sflag:s28] =	ssyncset.done $0x0  }
0x21: {  	s17 =	simm.s32 $0x100;
	s16 =	simm.s32 $0x0;
	[sflag:s28] =	ssyncadd.s32 $0xFFFFFC00  }
.LBB2_2:
0x22: {  	p1 =	sne.s32 s17, $0x7F00;
	[tilespmem:s16+$0x30] =	vst v2;
	s19 =	smov.u32 s17;
	s17 =	sadd.s32 $0x100, s17  }
.Ltmp0:
0x23: {  	[tilespmem:s16+$0x20] =	vst v2;
	(pc) =	sbr.rel @p1 .LBB2_2-.Ltmp0, $3  }
0x24: {  	[tilespmem:s16+$0x0] =	vst v2  }
0x25: {  	[tilespmem:s16+$0x10] =	vst v2;
	_ =	sdelay $0x1  }
0x26: {  	s16 =	sshra.s32 s19, $0x2  }
0x27: {  	[tilespmem:s16+$0x30] =	vst v2  }
0x28: {  	[tilespmem:s16+$0x20] =	vst v2  }
0x29: {  	[tilespmem:s16+$0x0] =	vst v2  }
0x2a: {  	[tilespmem:s16+$0x10] =	vst v2;
	s16 =	simm.s32 $0x0  }
0x2b: {  	[spmem:s6] =	stream.linear.scatter [tilespmem:s16], [sflag:$0x4], $0x2000, $0x38;
	[tilespmem:$0x1D500] =	vst v63  }
0x2c: {  	_ =	swait.ge [sflag:s28], $0x2000  }
0x2d: {  	[sflag:s28] =	ssyncset.done $0x0  }
0x2e: {  	s17 =	rddreg [dreg:$0x5];
	[sflag:s28] =	ssyncadd.s32 $0xFFFFE000  }
0x2f: {  	[spmem:s17] =	stream.linear.scatter [tilespmem:s16], [sflag:$0x4], $0x2000, $0x38;
	[tilespmem:$0x1D500] =	vst v63  }
0x30: {  	_ =	swait.ge [sflag:s28], $0x2000  }
0x31: {  	[sflag:s28] =	ssyncset.done $0x0  }
0x32: {  	s19 =	rddreg [dreg:$0x6];
	[sflag:s28] =	ssyncadd.s32 $0xFFFFE000  }
0x33: {  	[spmem:s19] =	stream.linear.scatter [tilespmem:s16], [sflag:$0x4], $0x2000, $0x38;
	[tilespmem:$0x1D500] =	vst v63  }
0x34: {  	_ =	swait.ge [sflag:s28], $0x2000  }
0x35: {  	[sflag:s28] =	ssyncset.done $0x0  }
0x36: {  	s19 =	rddreg [dreg:$0x7];
	[sflag:s28] =	ssyncadd.s32 $0xFFFFE000  }
0x37: {  	[spmem:s19] =	stream.linear.scatter [tilespmem:s16], [sflag:$0x4], $0x2000, $0x38;
	[tilespmem:$0x1D500] =	vst v63  }
0x38: {  	_ =	swait.ge [sflag:s28], $0x2000  }
0x39: {  	[sflag:s28] =	ssyncset.done $0x0  }
0x3a: {  	s19 =	rddreg [dreg:$0x8];
	[sflag:s28] =	ssyncadd.s32 $0xFFFFE000  }
0x3b: {  	[spmem:s19] =	stream.linear.scatter [tilespmem:s16], [sflag:$0x4], $0x2000, $0x38;
	[tilespmem:$0x1D500] =	vst v63  }
0x3c: {  	_ =	swait.ge [sflag:s28], $0x2000  }
0x3d: {  	[sflag:s28] =	ssyncset.done $0x0  }
0x3e: {  	s19 =	rddreg [dreg:$0x9];
	[sflag:s28] =	ssyncadd.s32 $0xFFFFE000  }
0x3f: {  	[spmem:s19] =	stream.linear.scatter [tilespmem:s16], [sflag:$0x4], $0x2000, $0x38;
	[tilespmem:$0x1D500] =	vst v63  }
0x40: {  	_ =	swait.ge [sflag:s28], $0x2000  }
0x41: {  	[sflag:s28] =	ssyncset.done $0x0  }
0x42: {  	s19 =	rddreg [dreg:$0xa];
	[sflag:s28] =	ssyncadd.s32 $0xFFFFE000  }
0x43: {  	[spmem:s19] =	stream.linear.scatter [tilespmem:s16], [sflag:$0x4], $0x2000, $0x38;
	[tilespmem:$0x1D500] =	vst v63  }
0x44: {  	_ =	swait.ge [sflag:s28], $0x2000  }
0x45: {  	[sflag:s28] =	ssyncset.done $0x0  }
0x46: {  	s19 =	rddreg [dreg:$0xb];
	[sflag:s28] =	ssyncadd.s32 $0xFFFFE000  }
0x47: {  	[spmem:s19] =	stream.linear.scatter [tilespmem:s16], [sflag:$0x4], $0x2000, $0x38;
	[tilespmem:$0x1D500] =	vst v63  }
0x48: {  	_ =	swait.ge [sflag:s28], $0x2000  }
0x49: {  	[sflag:s28] =	ssyncset.done $0x0  }
0x4a: {  	s19 =	rddreg [dreg:$0xc];
	[sflag:s28] =	ssyncadd.s32 $0xFFFFE000  }
0x4b: {  	[spmem:s19] =	stream.linear.scatter [tilespmem:s16], [sflag:$0x4], $0x2000, $0x38;
	[tilespmem:$0x1D500] =	vst v63  }
0x4c: {  	_ =	swait.ge [sflag:s28], $0x2000  }
0x4d: {  	[sflag:s28] =	ssyncset.done $0x0  }
0x4e: {  	s19 =	rddreg [dreg:$0xd];
	[sflag:s28] =	ssyncadd.s32 $0xFFFFE000  }
0x4f: {  	[spmem:s19] =	stream.linear.scatter [tilespmem:s16], [sflag:$0x4], $0x2000, $0x38;
	[tilespmem:$0x1D500] =	vst v63  }
0x50: {  	_ =	swait.ge [sflag:s28], $0x2000  }
0x51: {  	[sflag:s28] =	ssyncset.done $0x0  }
0x52: {  	s19 =	rddreg [dreg:$0xe];
	[sflag:s28] =	ssyncadd.s32 $0xFFFFE000  }
0x53: {  	[spmem:s19] =	stream.linear.scatter [tilespmem:s16], [sflag:$0x4], $0x2000, $0x38;
	[tilespmem:$0x1D500] =	vst v63  }
0x54: {  	_ =	swait.ge [sflag:s28], $0x2000  }
0x55: {  	[sflag:s28] =	ssyncset.done $0x0  }
0x56: {  	s19 =	rddreg [dreg:$0xf];
	[sflag:s28] =	ssyncadd.s32 $0xFFFFE000  }
0x57: {  	[spmem:s19] =	stream.linear.scatter [tilespmem:s16], [sflag:$0x4], $0x2000, $0x38;
	[tilespmem:$0x1D500] =	vst v63  }
0x58: {  	_ =	swait.ge [sflag:s28], $0x2000  }
0x59: {  	[sflag:s28] =	ssyncset.done $0x0  }
0x5a: {  	s19 =	rddreg [dreg:$0x10];
	[sflag:s28] =	ssyncadd.s32 $0xFFFFE000  }
0x5b: {  	[spmem:s19] =	stream.linear.scatter [tilespmem:s16], [sflag:$0x4], $0x800, $0x38;
	[tilespmem:$0x1D500] =	vst v63  }
0x5c: {  	_ =	swait.ge [sflag:s28], $0x800  }
0x5d: {  	[sflag:s28] =	ssyncset.done $0x0  }
0x5e: {  	[sflag:s28] =	ssyncadd.s32 $0xFFFFF800  }
0x5f: {  	[bflag:$0x0] =	sbarrier.arrive $0xFFFF  }
0x60: {  	[tilespmem:s29], [sflag:$0x4] =	stream.linear.gather [hbm4b:s18+s16], $0x200, $0x38;
	[tilespmem:$0x1D500] =	vst v63  }
0x61: {  	_ =	swait.ge [sflag:s28], $0x200  }
0x62: {  	[sflag:s28] =	ssyncset.done $0x0  }
0x63: {  	[sflag:s28] =	ssyncadd.s32 $0xFFFFFE00  }
0x64: {  	[tilespmem:s16], [sflag:$0x1] =	stream.indirect.gather [hbm4b:s1+s30], $0x40, s31, s30, $0xb8;
	[tilespmem:$0x1D500] =	vst v63  }
0x65: {  	_ = 	snop  }
0x66: {  	[tilespmem:s0], [sflag:$0x2] =	stream.linear.gather [hbm4b:s21+s16], $0x200, $0x38;
	[tilespmem:$0x1D500] =	vst v63  }
0x67: {  	_ = 	snop  }
0x68: {  	[tilespmem:s26], [sflag:$0x2] =	stream.linear.gather [hbm4b:s25+s16], $0x200, $0x38;
	[tilespmem:$0x1D500] =	vst v63  }
.LBB2_4:
0x69: {  	s17 =	sadd.s32 s16, s18  }
0x6a: {  	s19 =	sadd.s32 $0xC0, s17  }
0x6b: {  	[tilespmem:s3], [sflag:$0x2] =	stream.linear.gather [hbm4b:s19+s4], $0x200, $0x38;
	[tilespmem:$0x1D500] =	vst v63  }
0x6c: {  	_ =	swait.ge [sflag:s5], $0x200  }
0x6d: {  	p1 =	seq.s32 s16, $0x0;
	[sflag:s5] =	ssyncset.done $0x0  }
0x6e: {  	s19 =	simm.s32 @!p1 $0x3;
	[sflag:s5] =	ssyncadd.s32 $0xFFFFFE00  }
0x6f: {  	_ =	swait.ge @!p1 [sflag:s19], $0x2000  }
0x70: {  	[sflag:s19] =	ssyncset.done @!p1 $0x0  }
0x71: {  	[sflag:s19] =	ssyncadd.s32 @!p1 $0xFFFFE000  }
0x72: {  	[tilespmem:s8], [sflag:$0x1] =	stream.indirect.gather [hbm4b:s1+s30], $0x40, s7, s30, $0xb8;
	[tilespmem:$0x1D500] =	vst v63  }
0x73: {  	_ =	swait.ge [sflag:s9], $0x2000  }
0x74: {  	[sflag:s9] =	ssyncset.done $0x0  }
0x75: {  	[sflag:s9] =	ssyncadd.s32 $0xFFFFE000  }
0x76: {  	v3 =	vld [tilespmem:$0x4000]  }
0x77: {  	v4 =	vld [tilespmem:$0x4010]  }
0x78: {  	v5 =	vld [tilespmem:$0x4020]  }
0x79: {  	v6 =	vld [tilespmem:$0x4030]  }
0x7a: {  	v7 =	vld [tilespmem:$0x4040]  }
0x7b: {  	v8 =	vld [tilespmem:$0x4050]  }
0x7c: {  	vm0 =	vge.s32 v3, v0;
	vm1 =	vlt.s32 v3, v1;
	v3 =	vsub.s32 v3, v0  }
0x7d: {  	vm6 =	vge.s32 v4, v0;
	vm2 =	vlt.s32 v4, v1;
	v4 =	vsub.s32 v4, v0  }
0x7e: {  	v9 =	vld [tilespmem:$0x4060];
	vm8 =	vge.s32 v5, v0;
	vm9 =	vlt.s32 v5, v1;
	vm10 =	vge.s32 v6, v0  }
0x7f: {  	v10 =	vld [tilespmem:$0x4070];
	vm11 =	vlt.s32 v6, v1;
	v5 =	vsub.s32 v5, v0;
	v6 =	vsub.s32 v6, v0  }
0x80: {  	vm12 =	vge.s32 v7, v0;
	vm13 =	vlt.s32 v7, v1;
	vm14 =	vge.s32 v8, v0  }
0x81: {  	vm3 =	vlt.s32 v8, v1;
	v35 =	vsub.s32 v8, v0;
	vm0 =	vmand vm0, vm1  }
0x82: {  	vm7 =	vmand vm6, vm2;
	vm1 =	vmand vm10, vm11;
	v3 =	vnsel vm0, $0x61A8, v3  }
0x83: {  	vm15 =	vmand vm14, vm3;
	vm6 =	vge.s32 v9, v0;
	v4 =	vnsel vm7, $0x61A8, v4;
	[tilespmem:$0x4800] =	vst v3  }
0x84: {  	vm10 =	vlt.s32 v10, v1;
	vm0 =	vmand vm8, vm9;
	v6 =	vnsel vm1, $0x61A8, v6;
	[tilespmem:$0x4810] =	vst v4  }
0x85: {  	v5 =	vnsel vm0, $0x61A8, v5;
	vm0 =	vmand vm12, vm13;
	v3 =	vsub.s32 v7, v0;
	[tilespmem:$0x4830] =	vst v6  }
0x86: {  	vm7 =	vlt.s32 v9, v1;
	vm9 =	vge.s32 v10, v0;
	[tilespmem:$0x4820] =	vst v5;
	v3 =	vnsel vm0, $0x61A8, v3  }
0x87: {  	v4 =	vnsel vm15, $0x61A8, v35;
	vm8 =	vmand vm6, vm7;
	[tilespmem:$0x4840] =	vst v3;
	v3 =	vsub.s32 v9, v0  }
0x88: {  	v36 =	vsub.s32 v10, v0;
	vm11 =	vmand vm9, vm10;
	[tilespmem:$0x4850] =	vst v4;
	v3 =	vnsel vm8, $0x61A8, v3  }
0x89: {  	[tilespmem:$0x4860] =	vst v3;
	v3 =	vnsel vm11, $0x61A8, v36  }
0x8a: {  	[tilespmem:$0x4870] =	vst v3  }
0x8b: {  	[spmem:s2] =	stream.indirect.scatter.add.f32 [tilespmem:s4], [sflag:$0x3], $0x40, s10, s30, $0xb8;
	[tilespmem:$0x1D500] =	vst v63  }
0x8c: {  	s19 =	sadd.s32 $0x100, s17  }
0x8d: {  	[tilespmem:s29], [sflag:$0x2] =	stream.linear.gather [hbm4b:s19+s4], $0x200, $0x38;
	[tilespmem:$0x1D500] =	vst v63  }
0x8e: {  	_ =	swait.ge [sflag:s5], $0x200  }
0x8f: {  	[sflag:s5] =	ssyncset.done $0x0  }
0x90: {  	[sflag:s5] =	ssyncadd.s32 $0xFFFFFE00  }
0x91: {  	_ =	swait.ge [sflag:s11], $0x2000  }
0x92: {  	[sflag:s11] =	ssyncset.done $0x0  }
0x93: {  	[sflag:s11] =	ssyncadd.s32 $0xFFFFE000  }
0x94: {  	[tilespmem:s4], [sflag:$0x1] =	stream.indirect.gather [hbm4b:s1+s30], $0x40, s12, s30, $0xb8;
	[tilespmem:$0x1D500] =	vst v63  }
0x95: {  	_ =	swait.ge [sflag:s9], $0x2000  }
0x96: {  	[sflag:s9] =	ssyncset.done $0x0  }
0x97: {  	[sflag:s9] =	ssyncadd.s32 $0xFFFFE000  }
0x98: {  	v3 =	vld [tilespmem:$0x4200]  }
0x99: {  	v37 =	vld [tilespmem:$0x4210]  }
0x9a: {  	v38 =	vld [tilespmem:$0x4220]  }
0x9b: {  	v39 =	vld [tilespmem:$0x4230]  }
0x9c: {  	v40 =	vld [tilespmem:$0x4240]  }
0x9d: {  	v41 =	vld [tilespmem:$0x4250]  }
0x9e: {  	vm12 =	vge.s32 v3, v0;
	vm13 =	vlt.s32 v3, v1;
	v3 =	vsub.s32 v3, v0  }
0x9f: {  	vm14 =	vge.s32 v37, v0;
	vm15 =	vlt.s32 v37, v1;
	v4 =	vsub.s32 v37, v0  }
0xa0: {  	v42 =	vld [tilespmem:$0x4260];
	vm5 =	vge.s32 v38, v0;
	vm6 =	vlt.s32 v38, v1;
	vm7 =	vge.s32 v39, v0  }
0xa1: {  	v43 =	vld [tilespmem:$0x4270];
	vm8 =	vlt.s32 v39, v1;
	v5 =	vsub.s32 v38, v0;
	v6 =	vsub.s32 v39, v0  }
0xa2: {  	vm9 =	vge.s32 v40, v0;
	vm10 =	vlt.s32 v40, v1;
	vm11 =	vge.s32 v41, v0  }
0xa3: {  	v44 =	vsub.s32 v41, v0;
	vm0 =	vmand vm12, vm13;
	vm4 =	vmand vm14, vm15  }
0xa4: {  	vm1 =	vmand vm7, vm8;
	vm12 =	vlt.s32 v41, v1;
	v3 =	vnsel vm0, $0x61A8, v3  }
0xa5: {  	vm14 =	vge.s32 v42, v0;
	vm15 =	vlt.s32 v42, v1;
	v4 =	vnsel vm4, $0x61A8, v4;
	[tilespmem:$0x4880] =	vst v3  }
0xa6: {  	vm7 =	vge.s32 v43, v0;
	vm0 =	vmand vm5, vm6;
	v6 =	vnsel vm1, $0x61A8, v6;
	[tilespmem:$0x4890] =	vst v4  }
0xa7: {  	v5 =	vnsel vm0, $0x61A8, v5;
	vm0 =	vmand vm9, vm10;
	v3 =	vsub.s32 v40, v0;
	[tilespmem:$0x48B0] =	vst v6  }
0xa8: {  	vm8 =	vlt.s32 v43, v1;
	vm13 =	vmand vm11, vm12;
	[tilespmem:$0x48A0] =	vst v5;
	v3 =	vnsel vm0, $0x61A8, v3  }
0xa9: {  	vm6 =	vmand vm14, vm15;
	v4 =	vnsel vm13, $0x61A8, v44;
	[tilespmem:$0x48C0] =	vst v3;
	v3 =	vsub.s32 v42, v0  }
0xaa: {  	v45 =	vsub.s32 v43, v0;
	vm9 =	vmand vm7, vm8;
	[tilespmem:$0x48D0] =	vst v4;
	v3 =	vnsel vm6, $0x61A8, v3  }
0xab: {  	[tilespmem:$0x48E0] =	vst v3;
	v3 =	vnsel vm9, $0x61A8, v45  }
0xac: {  	[tilespmem:$0x48F0] =	vst v3  }
0xad: {  	[spmem:s2] =	stream.indirect.scatter.add.f32 [tilespmem:s8], [sflag:$0x3], $0x40, s13, s30, $0xb8;
	[tilespmem:$0x1D500] =	vst v63  }
0xae: {  	s19 =	sadd.s32 $0x140, s17  }
0xaf: {  	[tilespmem:s0], [sflag:$0x2] =	stream.linear.gather [hbm4b:s19+s4], $0x200, $0x38;
	[tilespmem:$0x1D500] =	vst v63  }
0xb0: {  	_ =	swait.ge [sflag:s5], $0x200  }
0xb1: {  	[sflag:s5] =	ssyncset.done $0x0  }
0xb2: {  	[sflag:s5] =	ssyncadd.s32 $0xFFFFFE00  }
0xb3: {  	_ =	swait.ge [sflag:s11], $0x2000  }
0xb4: {  	[sflag:s11] =	ssyncset.done $0x0  }
0xb5: {  	[sflag:s11] =	ssyncadd.s32 $0xFFFFE000  }
0xb6: {  	[tilespmem:s8], [sflag:$0x1] =	stream.indirect.gather [hbm4b:s1+s30], $0x40, s14, s30, $0xb8;
	[tilespmem:$0x1D500] =	vst v63  }
0xb7: {  	_ =	swait.ge [sflag:s9], $0x2000  }
0xb8: {  	[sflag:s9] =	ssyncset.done $0x0  }
0xb9: {  	[sflag:s9] =	ssyncadd.s32 $0xFFFFE000  }
0xba: {  	v3 =	vld [tilespmem:$0x4400]  }
0xbb: {  	v46 =	vld [tilespmem:$0x4410]  }
0xbc: {  	v47 =	vld [tilespmem:$0x4420]  }
0xbd: {  	v48 =	vld [tilespmem:$0x4430]  }
0xbe: {  	v49 =	vld [tilespmem:$0x4440]  }
0xbf: {  	v50 =	vld [tilespmem:$0x4450]  }
0xc0: {  	vm10 =	vge.s32 v3, v0;
	vm11 =	vlt.s32 v3, v1;
	v3 =	vsub.s32 v3, v0  }
0xc1: {  	vm12 =	vge.s32 v46, v0;
	vm13 =	vlt.s32 v46, v1;
	v4 =	vsub.s32 v46, v0  }
0xc2: {  	v51 =	vld [tilespmem:$0x4460];
	vm15 =	vge.s32 v47, v0;
	vm4 =	vlt.s32 v47, v1;
	vm5 =	vge.s32 v48, v0  }
0xc3: {  	vm6 =	vlt.s32 v48, v1;
	v5 =	vsub.s32 v47, v0;
	v6 =	vsub.s32 v48, v0  }
0xc4: {  	vm7 =	vge.s32 v49, v0;
	vm8 =	vlt.s32 v49, v1;
	vm9 =	vge.s32 v50, v0  }
0xc5: {  	v52 =	vld [tilespmem:$0x4470];
	v53 =	vsub.s32 v50, v0;
	vm0 =	vmand vm10, vm11;
	vm14 =	vmand vm12, vm13  }
0xc6: {  	vm1 =	vmand vm5, vm6;
	vm10 =	vlt.s32 v50, v1;
	v3 =	vnsel vm0, $0x61A8, v3  }
0xc7: {  	vm12 =	vge.s32 v51, v0;
	vm13 =	vlt.s32 v51, v1;
	v4 =	vnsel vm14, $0x61A8, v4;
	[tilespmem:$0x4800] =	vst v3  }
0xc8: {  	vm0 =	vmand vm15, vm4;
	v6 =	vnsel vm1, $0x61A8, v6;
	vm11 =	vmand vm9, vm10;
	[tilespmem:$0x4810] =	vst v4  }
0xc9: {  	v5 =	vnsel vm0, $0x61A8, v5;
	vm0 =	vmand vm7, vm8;
	v3 =	vsub.s32 v49, v0;
	[tilespmem:$0x4830] =	vst v6  }
0xca: {  	vm14 =	vmand vm12, vm13;
	vm15 =	vge.s32 v52, v0;
	[tilespmem:$0x4820] =	vst v5;
	v3 =	vnsel vm0, $0x61A8, v3  }
0xcb: {  	vm4 =	vlt.s32 v52, v1;
	v4 =	vnsel vm11, $0x61A8, v53;
	[tilespmem:$0x4840] =	vst v3;
	v3 =	vsub.s32 v51, v0  }
0xcc: {  	v54 =	vsub.s32 v52, v0;
	vm5 =	vmand vm15, vm4;
	[tilespmem:$0x4850] =	vst v4;
	v3 =	vnsel vm14, $0x61A8, v3  }
0xcd: {  	[tilespmem:$0x4860] =	vst v3;
	v3 =	vnsel vm5, $0x61A8, v54  }
0xce: {  	[tilespmem:$0x4870] =	vst v3  }
0xcf: {  	[spmem:s2] =	stream.indirect.scatter.add.f32 [tilespmem:s4], [sflag:$0x3], $0x40, s10, s30, $0xb8;
	[tilespmem:$0x1D500] =	vst v63  }
0xd0: {  	s17 =	sadd.s32 $0x180, s17  }
0xd1: {  	[tilespmem:s26], [sflag:$0x2] =	stream.linear.gather [hbm4b:s17+s4], $0x200, $0x38;
	[tilespmem:$0x1D500] =	vst v63  }
0xd2: {  	_ =	swait.ge [sflag:s5], $0x200  }
0xd3: {  	[sflag:s5] =	ssyncset.done $0x0  }
0xd4: {  	[sflag:s5] =	ssyncadd.s32 $0xFFFFFE00  }
0xd5: {  	_ =	swait.ge [sflag:s11], $0x2000  }
0xd6: {  	[sflag:s11] =	ssyncset.done $0x0  }
0xd7: {  	[sflag:s11] =	ssyncadd.s32 $0xFFFFE000  }
0xd8: {  	[tilespmem:s4], [sflag:$0x1] =	stream.indirect.gather [hbm4b:s1+s30], $0x40, s31, s30, $0xb8;
	[tilespmem:$0x1D500] =	vst v63  }
0xd9: {  	_ =	swait.ge [sflag:s9], $0x2000  }
0xda: {  	[sflag:s9] =	ssyncset.done $0x0  }
0xdb: {  	[sflag:s9] =	ssyncadd.s32 $0xFFFFE000  }
0xdc: {  	v3 =	vld [tilespmem:$0x4600]  }
0xdd: {  	v55 =	vld [tilespmem:$0x4610]  }
0xde: {  	v56 =	vld [tilespmem:$0x4620]  }
0xdf: {  	v57 =	vld [tilespmem:$0x4630]  }
0xe0: {  	v58 =	vld [tilespmem:$0x4640]  }
0xe1: {  	v59 =	vld [tilespmem:$0x4650]  }
0xe2: {  	vm6 =	vge.s32 v3, v0;
	vm7 =	vlt.s32 v3, v1;
	v3 =	vsub.s32 v3, v0  }
0xe3: {  	vm8 =	vge.s32 v55, v0;
	vm9 =	vlt.s32 v55, v1;
	v4 =	vsub.s32 v55, v0  }
0xe4: {  	v61 =	vld [tilespmem:$0x4670];
	vm11 =	vge.s32 v56, v0;
	vm12 =	vlt.s32 v56, v1;
	vm13 =	vge.s32 v57, v0  }
0xe5: {  	vm14 =	vlt.s32 v57, v1;
	v5 =	vsub.s32 v56, v0;
	v6 =	vsub.s32 v57, v0  }
0xe6: {  	vm15 =	vge.s32 v58, v0;
	v62 =	vsub.s32 v59, v0;
	vm0 =	vmand vm6, vm7  }
0xe7: {  	v60 =	vld [tilespmem:$0x4660];
	vm10 =	vmand vm8, vm9;
	vm1 =	vmand vm13, vm14;
	vm6 =	vlt.s32 v58, v1  }
0xe8: {  	vm7 =	vge.s32 v59, v0;
	vm8 =	vlt.s32 v59, v1;
	v3 =	vnsel vm0, $0x61A8, v3  }
0xe9: {  	vm13 =	vge.s32 v61, v0;
	vm14 =	vlt.s32 v61, v1;
	v4 =	vnsel vm10, $0x61A8, v4;
	[tilespmem:$0x4880] =	vst v3  }
0xea: {  	vm0 =	vmand vm11, vm12;
	v6 =	vnsel vm1, $0x61A8, v6;
	vm9 =	vmand vm7, vm8;
	[tilespmem:$0x4890] =	vst v4  }
0xeb: {  	s16 =	sadd.s32 $0x100, s16;
	v5 =	vnsel vm0, $0x61A8, v5;
	vm0 =	vmand vm15, vm6;
	v3 =	vsub.s32 v58, v0;
	[tilespmem:$0x48B0] =	vst v6  }
0xec: {  	p1 =	sne.s32 s16, $0x6100;
	vm10 =	vge.s32 v60, v0;
	vm11 =	vlt.s32 v60, v1;
	[tilespmem:$0x48A0] =	vst v5;
	v3 =	vnsel vm0, $0x61A8, v3  }
.Ltmp1:
0xed: {  	v4 =	vnsel vm9, $0x61A8, v62;
	vm12 =	vmand vm10, vm11;
	[tilespmem:$0x48C0] =	vst v3;
	v3 =	vsub.s32 v60, v0;
	(pc) =	sbr.rel @p1 .LBB2_4-.Ltmp1, $4  }
0xee: {  	v63 =	vsub.s32 v61, v0;
	vm15 =	vmand vm13, vm14;
	[tilespmem:$0x48D0] =	vst v4;
	v3 =	vnsel vm12, $0x61A8, v3  }
0xef: {  	[tilespmem:$0x48E0] =	vst v3;
	v3 =	vnsel vm15, $0x61A8, v63  }
0xf0: {  	[tilespmem:$0x48F0] =	vst v3  }
0xf1: {  	[spmem:s2] =	stream.indirect.scatter.add.f32 [tilespmem:s8], [sflag:$0x3], $0x40, s13, s30, $0xb8;
	[tilespmem:$0x1D500] =	vst v63  }
0xf2: {  	[tilespmem:s3], [sflag:$0x2] =	stream.linear.gather [hbm4b:s22+s4], $0x200, $0x38;
	[tilespmem:$0x1D500] =	vst v63  }
0xf3: {  	_ =	swait.ge [sflag:s5], $0x200  }
0xf4: {  	[sflag:s5] =	ssyncset.done $0x0  }
0xf5: {  	[sflag:s5] =	ssyncadd.s32 $0xFFFFFE00  }
0xf6: {  	_ =	swait.ge [sflag:s11], $0x2000  }
0xf7: {  	[sflag:s11] =	ssyncset.done $0x0  }
0xf8: {  	[sflag:s11] =	ssyncadd.s32 $0xFFFFE000  }
0xf9: {  	[tilespmem:s8], [sflag:$0x1] =	stream.indirect.gather [hbm4b:s1+s30], $0x40, s7, s30, $0xb8;
	[tilespmem:$0x1D500] =	vst v63  }
0xfa: {  	_ =	swait.ge [sflag:s9], $0x2000  }
0xfb: {  	[sflag:s9] =	ssyncset.done $0x0  }
0xfc: {  	[sflag:s9] =	ssyncadd.s32 $0xFFFFE000  }
0xfd: {  	v3 =	vld [tilespmem:$0x4000]  }
0xfe: {  	v4 =	vld [tilespmem:$0x4010]  }
0xff: {  	v5 =	vld [tilespmem:$0x4020]  }
0x100: {  	v6 =	vld [tilespmem:$0x4030]  }
0x101: {  	v7 =	vld [tilespmem:$0x4040]  }
0x102: {  	v8 =	vld [tilespmem:$0x4050]  }
0x103: {  	vm0 =	vge.s32 v3, v0;
	vm1 =	vlt.s32 v3, v1;
	v3 =	vsub.s32 v3, v0  }
0x104: {  	vm6 =	vge.s32 v4, v0;
	vm2 =	vlt.s32 v4, v1;
	v4 =	vsub.s32 v4, v0  }
0x105: {  	v9 =	vld [tilespmem:$0x4060];
	vm8 =	vge.s32 v5, v0;
	vm9 =	vlt.s32 v5, v1;
	vm10 =	vge.s32 v6, v0  }
0x106: {  	v10 =	vld [tilespmem:$0x4070];
	vm11 =	vlt.s32 v6, v1;
	v5 =	vsub.s32 v5, v0;
	v6 =	vsub.s32 v6, v0  }
0x107: {  	vm12 =	vge.s32 v7, v0;
	vm13 =	vlt.s32 v7, v1;
	vm14 =	vge.s32 v8, v0  }
0x108: {  	vm3 =	vlt.s32 v8, v1;
	v35 =	vsub.s32 v8, v0;
	vm0 =	vmand vm0, vm1  }
0x109: {  	vm7 =	vmand vm6, vm2;
	vm1 =	vmand vm10, vm11;
	v3 =	vnsel vm0, $0x61A8, v3  }
0x10a: {  	vm15 =	vmand vm14, vm3;
	vm6 =	vge.s32 v9, v0;
	v4 =	vnsel vm7, $0x61A8, v4;
	[tilespmem:$0x4800] =	vst v3  }
0x10b: {  	vm10 =	vlt.s32 v10, v1;
	vm0 =	vmand vm8, vm9;
	v6 =	vnsel vm1, $0x61A8, v6;
	[tilespmem:$0x4810] =	vst v4  }
0x10c: {  	v5 =	vnsel vm0, $0x61A8, v5;
	vm0 =	vmand vm12, vm13;
	v3 =	vsub.s32 v7, v0;
	[tilespmem:$0x4830] =	vst v6  }
0x10d: {  	vm7 =	vlt.s32 v9, v1;
	vm9 =	vge.s32 v10, v0;
	[tilespmem:$0x4820] =	vst v5;
	v3 =	vnsel vm0, $0x61A8, v3  }
0x10e: {  	v4 =	vnsel vm15, $0x61A8, v35;
	vm8 =	vmand vm6, vm7;
	[tilespmem:$0x4840] =	vst v3;
	v3 =	vsub.s32 v9, v0  }
0x10f: {  	v36 =	vsub.s32 v10, v0;
	vm11 =	vmand vm9, vm10;
	[tilespmem:$0x4850] =	vst v4;
	v3 =	vnsel vm8, $0x61A8, v3  }
0x110: {  	[tilespmem:$0x4860] =	vst v3;
	v3 =	vnsel vm11, $0x61A8, v36  }
0x111: {  	[tilespmem:$0x4870] =	vst v3  }
0x112: {  	[spmem:s2] =	stream.indirect.scatter.add.f32 [tilespmem:s4], [sflag:$0x3], $0x40, s10, s30, $0xb8;
	[tilespmem:$0x1D500] =	vst v63  }
0x113: {  	_ =	swait.ge [sflag:s5], $0x200  }
0x114: {  	[sflag:s5] =	ssyncset.done $0x0  }
0x115: {  	[sflag:s5] =	ssyncadd.s32 $0xFFFFFE00  }
0x116: {  	_ =	swait.ge [sflag:s11], $0x2000  }
0x117: {  	[sflag:s11] =	ssyncset.done $0x0  }
0x118: {  	[sflag:s11] =	ssyncadd.s32 $0xFFFFE000  }
0x119: {  	[tilespmem:s4], [sflag:$0x1] =	stream.indirect.gather [hbm4b:s1+s30], $0x40, s12, s30, $0xb8;
	[tilespmem:$0x1D500] =	vst v63  }
0x11a: {  	_ =	swait.ge [sflag:s9], $0x2000  }
0x11b: {  	[sflag:s9] =	ssyncset.done $0x0  }
0x11c: {  	[sflag:s9] =	ssyncadd.s32 $0xFFFFE000  }
0x11d: {  	v3 =	vld [tilespmem:$0x4200]  }
0x11e: {  	v37 =	vld [tilespmem:$0x4210]  }
0x11f: {  	v38 =	vld [tilespmem:$0x4220]  }
0x120: {  	v39 =	vld [tilespmem:$0x4230]  }
0x121: {  	v40 =	vld [tilespmem:$0x4240]  }
0x122: {  	v41 =	vld [tilespmem:$0x4250]  }
0x123: {  	vm12 =	vge.s32 v3, v0;
	vm13 =	vlt.s32 v3, v1;
	v3 =	vsub.s32 v3, v0  }
0x124: {  	vm14 =	vge.s32 v37, v0;
	vm15 =	vlt.s32 v37, v1;
	v4 =	vsub.s32 v37, v0  }
0x125: {  	v42 =	vld [tilespmem:$0x4260];
	vm5 =	vge.s32 v38, v0;
	vm6 =	vlt.s32 v38, v1;
	vm7 =	vge.s32 v39, v0  }
0x126: {  	v43 =	vld [tilespmem:$0x4270];
	vm8 =	vlt.s32 v39, v1;
	v5 =	vsub.s32 v38, v0;
	v6 =	vsub.s32 v39, v0  }
0x127: {  	vm9 =	vge.s32 v40, v0;
	vm10 =	vlt.s32 v40, v1;
	vm11 =	vge.s32 v41, v0  }
0x128: {  	v44 =	vsub.s32 v41, v0;
	vm0 =	vmand vm12, vm13;
	vm4 =	vmand vm14, vm15  }
0x129: {  	vm1 =	vmand vm7, vm8;
	vm12 =	vlt.s32 v41, v1;
	v3 =	vnsel vm0, $0x61A8, v3  }
0x12a: {  	vm14 =	vge.s32 v42, v0;
	vm15 =	vlt.s32 v42, v1;
	v4 =	vnsel vm4, $0x61A8, v4;
	[tilespmem:$0x4880] =	vst v3  }
0x12b: {  	vm7 =	vge.s32 v43, v0;
	vm0 =	vmand vm5, vm6;
	v6 =	vnsel vm1, $0x61A8, v6;
	[tilespmem:$0x4890] =	vst v4  }
0x12c: {  	v5 =	vnsel vm0, $0x61A8, v5;
	vm0 =	vmand vm9, vm10;
	v3 =	vsub.s32 v40, v0;
	[tilespmem:$0x48B0] =	vst v6  }
0x12d: {  	vm8 =	vlt.s32 v43, v1;
	vm13 =	vmand vm11, vm12;
	[tilespmem:$0x48A0] =	vst v5;
	v3 =	vnsel vm0, $0x61A8, v3  }
0x12e: {  	vm6 =	vmand vm14, vm15;
	v4 =	vnsel vm13, $0x61A8, v44;
	[tilespmem:$0x48C0] =	vst v3;
	v3 =	vsub.s32 v42, v0  }
0x12f: {  	v45 =	vsub.s32 v43, v0;
	vm9 =	vmand vm7, vm8;
	[tilespmem:$0x48D0] =	vst v4;
	v3 =	vnsel vm6, $0x61A8, v3  }
0x130: {  	[tilespmem:$0x48E0] =	vst v3;
	v3 =	vnsel vm9, $0x61A8, v45  }
0x131: {  	[tilespmem:$0x48F0] =	vst v3  }
0x132: {  	[spmem:s2] =	stream.indirect.scatter.add.f32 [tilespmem:s8], [sflag:$0x3], $0x40, s13, s30, $0xb8;
	[tilespmem:$0x1D500] =	vst v63  }
0x133: {  	_ =	swait.ge [sflag:s5], $0x200  }
0x134: {  	[sflag:s5] =	ssyncset.done $0x0  }
0x135: {  	[sflag:s5] =	ssyncadd.s32 $0xFFFFFE00  }
0x136: {  	_ =	swait.ge [sflag:s11], $0x2000  }
0x137: {  	[sflag:s11] =	ssyncset.done $0x0  }
0x138: {  	[sflag:s11] =	ssyncadd.s32 $0xFFFFE000  }
0x139: {  	[tilespmem:s8], [sflag:$0x1] =	stream.indirect.gather [hbm4b:s1+s30], $0x40, s14, s30, $0xb8;
	[tilespmem:$0x1D500] =	vst v63  }
0x13a: {  	_ =	swait.ge [sflag:s9], $0x2000  }
0x13b: {  	[sflag:s9] =	ssyncset.done $0x0  }
0x13c: {  	[sflag:s9] =	ssyncadd.s32 $0xFFFFE000  }
0x13d: {  	v3 =	vld [tilespmem:$0x4400]  }
0x13e: {  	v46 =	vld [tilespmem:$0x4410]  }
0x13f: {  	v47 =	vld [tilespmem:$0x4420]  }
0x140: {  	v48 =	vld [tilespmem:$0x4430]  }
0x141: {  	v49 =	vld [tilespmem:$0x4440]  }
0x142: {  	v50 =	vld [tilespmem:$0x4450]  }
0x143: {  	vm10 =	vge.s32 v3, v0;
	vm11 =	vlt.s32 v3, v1;
	v3 =	vsub.s32 v3, v0  }
0x144: {  	vm12 =	vge.s32 v46, v0;
	vm13 =	vlt.s32 v46, v1;
	v4 =	vsub.s32 v46, v0  }
0x145: {  	v51 =	vld [tilespmem:$0x4460];
	vm15 =	vge.s32 v47, v0;
	vm4 =	vlt.s32 v47, v1;
	vm5 =	vge.s32 v48, v0  }
0x146: {  	vm6 =	vlt.s32 v48, v1;
	v5 =	vsub.s32 v47, v0;
	v6 =	vsub.s32 v48, v0  }
0x147: {  	vm7 =	vge.s32 v49, v0;
	vm8 =	vlt.s32 v49, v1;
	vm9 =	vge.s32 v50, v0  }
0x148: {  	v52 =	vld [tilespmem:$0x4470];
	v53 =	vsub.s32 v50, v0;
	vm0 =	vmand vm10, vm11;
	vm14 =	vmand vm12, vm13  }
0x149: {  	vm1 =	vmand vm5, vm6;
	vm10 =	vlt.s32 v50, v1;
	v3 =	vnsel vm0, $0x61A8, v3  }
0x14a: {  	vm12 =	vge.s32 v51, v0;
	vm13 =	vlt.s32 v51, v1;
	v4 =	vnsel vm14, $0x61A8, v4;
	[tilespmem:$0x4800] =	vst v3  }
0x14b: {  	vm0 =	vmand vm15, vm4;
	v6 =	vnsel vm1, $0x61A8, v6;
	vm11 =	vmand vm9, vm10;
	[tilespmem:$0x4810] =	vst v4  }
0x14c: {  	v5 =	vnsel vm0, $0x61A8, v5;
	vm0 =	vmand vm7, vm8;
	v3 =	vsub.s32 v49, v0;
	[tilespmem:$0x4830] =	vst v6  }
0x14d: {  	vm14 =	vmand vm12, vm13;
	vm15 =	vge.s32 v52, v0;
	[tilespmem:$0x4820] =	vst v5;
	v3 =	vnsel vm0, $0x61A8, v3  }
0x14e: {  	vm4 =	vlt.s32 v52, v1;
	v4 =	vnsel vm11, $0x61A8, v53;
	[tilespmem:$0x4840] =	vst v3;
	v3 =	vsub.s32 v51, v0  }
0x14f: {  	v54 =	vsub.s32 v52, v0;
	vm5 =	vmand vm15, vm4;
	[tilespmem:$0x4850] =	vst v4;
	v3 =	vnsel vm14, $0x61A8, v3  }
0x150: {  	[tilespmem:$0x4860] =	vst v3;
	v3 =	vnsel vm5, $0x61A8, v54  }
0x151: {  	[tilespmem:$0x4870] =	vst v3  }
0x152: {  	[spmem:s2] =	stream.indirect.scatter.add.f32 [tilespmem:s4], [sflag:$0x3], $0x40, s10, s30, $0xb8;
	[tilespmem:$0x1D500] =	vst v63  }
0x153: {  	_ =	swait.ge [sflag:s9], $0x2000  }
0x154: {  	[sflag:s9] =	ssyncset.done $0x0  }
0x155: {  	[sflag:s9] =	ssyncadd.s32 $0xFFFFE000  }
0x156: {  	v3 =	vld [tilespmem:$0x4600]  }
0x157: {  	v55 =	vld [tilespmem:$0x4610]  }
0x158: {  	v56 =	vld [tilespmem:$0x4620]  }
0x159: {  	v57 =	vld [tilespmem:$0x4630]  }
0x15a: {  	v58 =	vld [tilespmem:$0x4640]  }
0x15b: {  	v59 =	vld [tilespmem:$0x4650]  }
0x15c: {  	vm6 =	vge.s32 v3, v0;
	vm7 =	vlt.s32 v3, v1;
	v3 =	vsub.s32 v3, v0  }
0x15d: {  	vm8 =	vge.s32 v55, v0;
	vm9 =	vlt.s32 v55, v1;
	v4 =	vsub.s32 v55, v0  }
0x15e: {  	v61 =	vld [tilespmem:$0x4670];
	vm11 =	vge.s32 v56, v0;
	vm12 =	vlt.s32 v56, v1;
	vm13 =	vge.s32 v57, v0  }
0x15f: {  	vm14 =	vlt.s32 v57, v1;
	v5 =	vsub.s32 v56, v0;
	v6 =	vsub.s32 v57, v0  }
0x160: {  	vm15 =	vge.s32 v58, v0;
	v62 =	vsub.s32 v59, v0;
	vm0 =	vmand vm6, vm7  }
0x161: {  	v60 =	vld [tilespmem:$0x4660];
	vm10 =	vmand vm8, vm9;
	vm1 =	vmand vm13, vm14;
	vm6 =	vlt.s32 v58, v1  }
0x162: {  	vm7 =	vge.s32 v59, v0;
	vm8 =	vlt.s32 v59, v1;
	v3 =	vnsel vm0, $0x61A8, v3  }
0x163: {  	vm13 =	vge.s32 v61, v0;
	vm14 =	vlt.s32 v61, v1;
	v4 =	vnsel vm10, $0x61A8, v4;
	[tilespmem:$0x4880] =	vst v3  }
0x164: {  	vm0 =	vmand vm11, vm12;
	v6 =	vnsel vm1, $0x61A8, v6;
	vm9 =	vmand vm7, vm8;
	[tilespmem:$0x4890] =	vst v4  }
0x165: {  	v5 =	vnsel vm0, $0x61A8, v5;
	vm0 =	vmand vm15, vm6;
	v3 =	vsub.s32 v58, v0;
	[tilespmem:$0x48B0] =	vst v6  }
0x166: {  	vm10 =	vge.s32 v60, v0;
	vm11 =	vlt.s32 v60, v1;
	[tilespmem:$0x48A0] =	vst v5;
	v3 =	vnsel vm0, $0x61A8, v3  }
0x167: {  	v4 =	vnsel vm9, $0x61A8, v62;
	vm12 =	vmand vm10, vm11;
	[tilespmem:$0x48C0] =	vst v3;
	v3 =	vsub.s32 v60, v0  }
0x168: {  	v63 =	vsub.s32 v61, v0;
	vm15 =	vmand vm13, vm14;
	[tilespmem:$0x48D0] =	vst v4;
	v3 =	vnsel vm12, $0x61A8, v3  }
0x169: {  	[tilespmem:$0x48E0] =	vst v3;
	v3 =	vnsel vm15, $0x61A8, v63  }
0x16a: {  	[tilespmem:$0x48F0] =	vst v3  }
0x16b: {  	[spmem:s2] =	stream.indirect.scatter.add.f32 [tilespmem:s8], [sflag:$0x3], $0x40, s13, s30, $0xb8;
	[tilespmem:$0x1D500] =	vst v63  }
0x16c: {  	_ =	swait.ge [sflag:s11], $0x2000  }
0x16d: {  	[sflag:s11] =	ssyncset.done $0x0  }
0x16e: {  	[sflag:s11] =	ssyncadd.s32 $0xFFFFE000  }
0x16f: {  	_ =	swait.ge [sflag:s11], $0x2000  }
0x170: {  	[sflag:s11] =	ssyncset.done $0x0  }
0x171: {  	[sflag:s11] =	ssyncadd.s32 $0xFFFFE000  }
0x172: {  	s16 =	sshrl.u32 @p0 s6, $0x3;
	s17 =	simm.s32 @p0 $0x1FC4;
	[bflag:$0x0] =	sbarrier.arrive $0xFFFF  }
0x173: {  	[hbm:s23], [sflag:s17] =	dma.local @p0 [spmem:s16], $0x2E40  }
0x174: {  	s16 =	simm.s32 @p0 $0x4  }
0x175: {  	s15 =	sadd.s32 $0x1, s15;
	s17 =	stileid.u32;
	_ =	swait.ge @p0 [sflag:s16], $0x2E40  }
0x176: {  	p1 =	sne.s32 s15, s24;
	s17 =	sshll.u32 @!p0 s17, $0x6;
	[sflag:s16] =	ssyncset.done @p0 $0x0  }
0x177: {  	[sflag:s16] =	ssyncadd.s32 @p0 $0xFFFFD1C0;
	s16 =	sor.u32 @!p0 $0x1C04, s17;
	s17 =	sshrl.u32 @!p0 s6, $0x3  }
0x178: {  	[hbm:s20], [sflag:s16] =	dma.local @!p0 [spmem:s17], $0x3100  }
.Ltmp2:
0x179: {  	_ = 	snop;
	(pc) =	sbr.rel @p1 .LBB2_1-.Ltmp2, $4  }
0x17a: {  	s16 =	simm.s32 @!p0 $0x4  }
0x17b: {  	_ =	swait.ge @!p0 [sflag:s16], $0x3100  }
0x17c: {  	[sflag:s16] =	ssyncset.done @!p0 $0x0  }
0x17d: {  	[sflag:s16] =	ssyncadd.s32 @!p0 $0xFFFFCF00  }
0x17e: {  	_ =	sfence.sel $0x180000  }
0x17f: {  	[bflag:$0x0] =	sbarrier.arrive $0xFFFF  }
0x180: {  	_ =	strace $0x90000047  }
0x181: {  	s0 =	stileid.u32;
	[bflag:$0x2] =	sbarrier.arrive $0xFFFF  }
0x182: {  	p0 =	sne.s32 s0, $0x0;
	s0 =	rddreg [dreg:$0x3]  }
0x183: {  	s0 =	sadd.s32 @!p0 $0x100000, s0  }
0x184: {  	[sflag:s0] =	ssyncadd.tile.s32 @!p0 $0x1;
	_ =	shalt  }
.Lfunc_end2:
_tile_overlayer_lowered:
.L_overlay_start_2:
0x185: {  	(tag) =	ssettag $0x2  }
0x186: {  	s0 =	rddreg [dreg:$0x0];
	s2 =	stileid.u32  }
0x187: {  	s1 =	rddreg [dreg:$0x1];
	p0 =	sne.s32 s2, $0x0  }
0x188: {  	s3 =	rddreg [dreg:$0x2];
	[bflag:$0x3] =	sbarrier.arrive $0xFFFF;
	s2 =	simm.s32 @!p0 $0x1C04  }
0x189: {  	[timem:s3], [sflag:s2] =	dma.local @!p0 [hbm:s0], s1  }
0x18a: {  	s0 =	simm.s32 @!p0 $0x4  }
0x18b: {  	_ =	swait.ge @!p0 [sflag:s0], s1  }
0x18c: {  	s1 =	ssub.s32 @!p0 $0x0, s1;
	[sflag:s0] =	ssyncset.done @!p0 $0x0  }
0x18d: {  	[sflag:s0] =	ssyncadd.s32 @!p0 s1  }
0x18e: {  	[bflag:$0x3] =	sbarrier.arrive $0xFFFF  }
0x18f: {  	_ =	shalt  }

</sc_bundles>
